<compile_context>
chip_gen: v7x
topology: tpu7x:2x2x1
jax: 0.10.2.dev20260603
libtpu: 0.0.44.dev20260713+nightly
codegen_flags: <defaults>
</compile_context>

<pallas_src>
import functools

import jax
import jax.numpy as jnp
from jax import lax
from jax.experimental import pallas as pl
from jax.experimental.pallas import tpu as pltpu
from jax.experimental.pallas import tpu_sc as plsc

BATCH = 16384
HIST = 50
EMBED = 64
TOTAL = BATCH * HIST
NUM_WORKERS = 32
PER_WORKER = TOTAL // NUM_WORKERS
CHUNK = 128
N_CHUNKS = PER_WORKER // CHUNK
NBUF = 8


def _make_gather():
    mesh = plsc.VectorSubcoreMesh(core_axis_name="c", subcore_axis_name="s")

    @functools.partial(
        pl.kernel,
        mesh=mesh,
        compiler_params=pltpu.CompilerParams(use_tc_tiling_on_sc=False),
        out_type=jax.ShapeDtypeStruct((TOTAL, EMBED), jnp.float32),
        scratch_types=[
            pltpu.VMEM((N_CHUNKS, CHUNK), jnp.int32),
            pltpu.VMEM((NBUF, CHUNK, EMBED), jnp.float32),
            pltpu.SemaphoreType.DMA((NBUF,)),
            pltpu.SemaphoreType.DMA((NBUF,)),
        ],
    )
    def gather(table_hbm, idx_hbm, out_hbm, idx_v, rows_v, gsem, osem):
        wid = lax.axis_index("s") * 2 + lax.axis_index("c")
        out_base = wid * PER_WORKER

        pltpu.sync_copy(idx_hbm.at[wid], idx_v)

        def fire_gather(c, b):
            pltpu.async_copy(table_hbm.at[idx_v.at[c]], rows_v.at[b], gsem.at[b])

        for b in range(NBUF):
            fire_gather(b, b)

        def body(g, carry):
            c0 = g * NBUF
            store_descs = []
            for b in range(NBUF):
                c = c0 + b
                pltpu.make_async_copy(
                    table_hbm.at[pl.ds(0, CHUNK)], rows_v.at[b], gsem.at[b]
                ).wait()
                d = pltpu.make_async_copy(
                    rows_v.at[b],
                    out_hbm.at[pl.ds(out_base + c * CHUNK, CHUNK)],
                    osem.at[b],
                )
                d.start()
                store_descs.append(d)
            for b in range(NBUF):
                store_descs[b].wait()
                c_next = c0 + b + NBUF

                @pl.when(c_next < N_CHUNKS)
                def _():
                    fire_gather(c_next, b)

            return carry

        lax.fori_loop(0, N_CHUNKS // NBUF, body, 0)

    return gather


_gather_rows = _make_gather()


def kernel(gps_idx, weight):
    idx = gps_idx.reshape(NUM_WORKERS, N_CHUNKS, CHUNK).astype(jnp.int32)
    out = _gather_rows(weight, idx)
    return out.reshape(BATCH, HIST, EMBED)

# --- scband reference (transcript-rebuilt; emitter-appended) ---
"""Pipeline reference for scband-gpsembeddings-60404420051172 (READ-ONLY COPY).

The authoritative reference and input builder live on the scoring server;
editing this copy changes nothing except your own understanding.
"""

import jax, jax.numpy as jnp
import numpy as np

NUM_GPS = 1000000
EMBED_DIM = 64
BATCH = 16384
HIST = 50

def setup_inputs(seed: int = 0) -> dict:
    key = jax.random.key(seed)
    k_idx, k_w = jax.random.split(key)
    gps_idx = jax.random.randint(k_idx, (BATCH, HIST), 0, NUM_GPS, dtype=jnp.int64 if jax.config.jax_enable_x64 else jnp.int32)
    weight = jax.random.normal(k_w, (NUM_GPS, EMBED_DIM), dtype=jnp.float32)
    return {"gps_idx": gps_idx, "weight": weight}

def reference(gps_idx, weight):
    # Faithful translation of nn.Embedding lookup: embed = gps_embedding(gps_idx)
    embed = jnp.take(weight, gps_idx, axis=0)
    return embed

if __name__ == "__main__":
    import jax
    _d = setup_inputs()
    print(jax.jit(kernel)(*tuple(_d.values())))

</pallas_src>

<mosaic_0001>
#map = affine_map<(d0, d1) -> (0, 0)>
#map1 = affine_map<(d0, d1) -> (0, 0, 0)>
module attributes {stable_mosaic.version = 14 : i64} {
  func.func @gather(%arg0: i32, %arg1: i32, %arg2: memref<1000000x64xf32, #tpu.memory_space<hbm>>, %arg3: memref<32x200x128xi32, #tpu.memory_space<hbm>>, %arg4: memref<819200x64xf32, #tpu.memory_space<hbm>>, %arg5: memref<200x128xi32, #tpu.memory_space<vmem>>, %arg6: memref<8x128x64xf32, #tpu.memory_space<vmem>>, %arg7: memref<8x!tpu.dma_semaphore, #tpu.memory_space<semaphore_mem>>, %arg8: memref<8x!tpu.dma_semaphore, #tpu.memory_space<semaphore_mem>>) attributes {dimension_semantics = [#tpu.dimension_semantics<core_parallel>, #tpu.dimension_semantics<subcore_parallel>], iteration_bounds = array<i64: 2, 16>, scalar_prefetch = 0 : i64, scratch_operands = 4 : i64, tpu.core_type = #tpu.core_type<sc_vector_subcore>, window_params = [{transform_indices = #map}, {transform_indices = #map1}, {transform_indices = #map}]} {
    %mul3A = arith.constant 2 : i32
    %mul3A_0 = arith.muli %arg1, %mul3A : i32
    %add3A = arith.addi %mul3A_0, %arg0 : i32
    %mul3A_1 = arith.constant 25600 : i32
    %mul3A_2 = arith.muli %add3A, %mul3A_1 : i32
    "tpu.region"() ({
      %run_scoped3A = tpu.sem_alloc : memref<!tpu.dma_semaphore, #tpu.memory_space<semaphore_mem>>
      %dma_start3A_127 = arith.constant 0 : i32
      %dma_start3A_128 = arith.constant 0 : i32
      %dma_start3A_129 = tpu.memref_slice %arg3[%add3A, %dma_start3A_127, %dma_start3A_128] : memref<32x200x128xi32, #tpu.memory_space<hbm>> -> memref<1x200x128xi32, #tpu.memory_space<hbm>>
      %dma_start3A_130 = tpu.memref_squeeze %dma_start3A_129 : memref<1x200x128xi32, #tpu.memory_space<hbm>> -> memref<200x128xi32, #tpu.memory_space<hbm>>
      %dma_start3A_131 = arith.constant 0 : i32
      %dma_start3A_132 = arith.constant 0 : i32
      %dma_start3A_133 = tpu.memref_slice %arg3[%add3A, %dma_start3A_131, %dma_start3A_132] : memref<32x200x128xi32, #tpu.memory_space<hbm>> -> memref<1x200x128xi32, #tpu.memory_space<hbm>>
      %dma_start3A_134 = tpu.memref_squeeze %dma_start3A_133 : memref<1x200x128xi32, #tpu.memory_space<hbm>> -> memref<200x128xi32, #tpu.memory_space<hbm>>
      tpu.enqueue_dma source(%dma_start3A_134 : memref<200x128xi32, #tpu.memory_space<hbm>>) target(%arg5 : memref<200x128xi32, #tpu.memory_space<vmem>>) target_semaphore(%run_scoped3A : memref<!tpu.dma_semaphore, #tpu.memory_space<semaphore_mem>>)
      %dma_wait3A = arith.constant 0 : i32
      %dma_wait3A_135 = arith.constant 0 : i32
      %dma_wait3A_136 = tpu.memref_slice %arg3[%add3A, %dma_wait3A, %dma_wait3A_135] : memref<32x200x128xi32, #tpu.memory_space<hbm>> -> memref<1x200x128xi32, #tpu.memory_space<hbm>>
      %dma_wait3A_137 = tpu.memref_squeeze %dma_wait3A_136 : memref<1x200x128xi32, #tpu.memory_space<hbm>> -> memref<200x128xi32, #tpu.memory_space<hbm>>
      %dma_wait3A_138 = arith.constant 0 : i32
      %dma_wait3A_139 = arith.constant 0 : i32
      %dma_wait3A_140 = tpu.memref_slice %arg3[%add3A, %dma_wait3A_138, %dma_wait3A_139] : memref<32x200x128xi32, #tpu.memory_space<hbm>> -> memref<1x200x128xi32, #tpu.memory_space<hbm>>
      %dma_wait3A_141 = tpu.memref_squeeze %dma_wait3A_140 : memref<1x200x128xi32, #tpu.memory_space<hbm>> -> memref<200x128xi32, #tpu.memory_space<hbm>>
      tpu.wait_dma2 semaphore(%run_scoped3A : memref<!tpu.dma_semaphore, #tpu.memory_space<semaphore_mem>>) src(%dma_wait3A_141 : memref<200x128xi32, #tpu.memory_space<hbm>>) dst(%arg5 : memref<200x128xi32, #tpu.memory_space<vmem>>)
      tpu.yield
    }) : () -> ()
    %dma_start3A = arith.constant 0 : i32
    %dma_start3A_3 = arith.constant 0 : i32
    %dma_start3A_4 = arith.constant 0 : i32
    %dma_start3A_5 = arith.constant 0 : i32
    %dma_start3A_6 = arith.constant 0 : i32
    %dma_start3A_7 = tpu.memref_slice %arg6[%dma_start3A_3, %dma_start3A_5, %dma_start3A_6] : memref<8x128x64xf32, #tpu.memory_space<vmem>> -> memref<1x128x64xf32, #tpu.memory_space<vmem>>
    %dma_start3A_8 = tpu.memref_squeeze %dma_start3A_7 : memref<1x128x64xf32, #tpu.memory_space<vmem>> -> memref<128x64xf32, #tpu.memory_space<vmem>>
    %dma_start3A_9 = arith.constant 0 : i32
    %dma_start3A_10 = tpu.memref_slice %arg5[%dma_start3A, %dma_start3A_9] : memref<200x128xi32, #tpu.memory_space<vmem>> -> memref<1x128xi32, #tpu.memory_space<vmem>>
    %dma_start3A_11 = tpu.memref_squeeze %dma_start3A_10 : memref<1x128xi32, #tpu.memory_space<vmem>> -> memref<128xi32, #tpu.memory_space<vmem>>
    %dma_start3A_12 = arith.constant 0 : i32
    %dma_start3A_13 = arith.constant 0 : i32
    %dma_start3A_14 = tpu.memref_slice %arg2[%dma_start3A_12, %dma_start3A_13] : memref<1000000x64xf32, #tpu.memory_space<hbm>> -> memref<1000000x64xf32, #tpu.memory_space<hbm>>
    %dma_start3A_15 = tpu.memref_slice %arg7[%dma_start3A_4] : memref<8x!tpu.dma_semaphore, #tpu.memory_space<semaphore_mem>> -> memref<1x!tpu.dma_semaphore, #tpu.memory_space<semaphore_mem>>
    %dma_start3A_16 = tpu.memref_squeeze %dma_start3A_15 : memref<1x!tpu.dma_semaphore, #tpu.memory_space<semaphore_mem>> -> memref<!tpu.dma_semaphore, #tpu.memory_space<semaphore_mem>>
    tpu.enqueue_indirect_dma source(%dma_start3A_14 : memref<1000000x64xf32, #tpu.memory_space<hbm>>) target(%dma_start3A_8 : memref<128x64xf32, #tpu.memory_space<vmem>>) offsets(%dma_start3A_11 : memref<128xi32, #tpu.memory_space<vmem>>) semaphore(%dma_start3A_16 : memref<!tpu.dma_semaphore, #tpu.memory_space<semaphore_mem>>)
    %dma_start3A_17 = arith.constant 1 : i32
    %dma_start3A_18 = arith.constant 1 : i32
    %dma_start3A_19 = arith.constant 1 : i32
    %dma_start3A_20 = arith.constant 0 : i32
    %dma_start3A_21 = arith.constant 0 : i32
    %dma_start3A_22 = tpu.memref_slice %arg6[%dma_start3A_18, %dma_start3A_20, %dma_start3A_21] : memref<8x128x64xf32, #tpu.memory_space<vmem>> -> memref<1x128x64xf32, #tpu.memory_space<vmem>>
    %dma_start3A_23 = tpu.memref_squeeze %dma_start3A_22 : memref<1x128x64xf32, #tpu.memory_space<vmem>> -> memref<128x64xf32, #tpu.memory_space<vmem>>
    %dma_start3A_24 = arith.constant 0 : i32
    %dma_start3A_25 = tpu.memref_slice %arg5[%dma_start3A_17, %dma_start3A_24] : memref<200x128xi32, #tpu.memory_space<vmem>> -> memref<1x128xi32, #tpu.memory_space<vmem>>
    %dma_start3A_26 = tpu.memref_squeeze %dma_start3A_25 : memref<1x128xi32, #tpu.memory_space<vmem>> -> memref<128xi32, #tpu.memory_space<vmem>>
    %dma_start3A_27 = arith.constant 0 : i32
    %dma_start3A_28 = arith.constant 0 : i32
    %dma_start3A_29 = tpu.memref_slice %arg2[%dma_start3A_27, %dma_start3A_28] : memref<1000000x64xf32, #tpu.memory_space<hbm>> -> memref<1000000x64xf32, #tpu.memory_space<hbm>>
    %dma_start3A_30 = tpu.memref_slice %arg7[%dma_start3A_19] : memref<8x!tpu.dma_semaphore, #tpu.memory_space<semaphore_mem>> -> memref<1x!tpu.dma_semaphore, #tpu.memory_space<semaphore_mem>>
    %dma_start3A_31 = tpu.memref_squeeze %dma_start3A_30 : memref<1x!tpu.dma_semaphore, #tpu.memory_space<semaphore_mem>> -> memref<!tpu.dma_semaphore, #tpu.memory_space<semaphore_mem>>
    tpu.enqueue_indirect_dma source(%dma_start3A_29 : memref<1000000x64xf32, #tpu.memory_space<hbm>>) target(%dma_start3A_23 : memref<128x64xf32, #tpu.memory_space<vmem>>) offsets(%dma_start3A_26 : memref<128xi32, #tpu.memory_space<vmem>>) semaphore(%dma_start3A_31 : memref<!tpu.dma_semaphore, #tpu.memory_space<semaphore_mem>>)
    %dma_start3A_32 = arith.constant 2 : i32
    %dma_start3A_33 = arith.constant 2 : i32
    %dma_start3A_34 = arith.constant 2 : i32
    %dma_start3A_35 = arith.constant 0 : i32
    %dma_start3A_36 = arith.constant 0 : i32
    %dma_start3A_37 = tpu.memref_slice %arg6[%dma_start3A_33, %dma_start3A_35, %dma_start3A_36] : memref<8x128x64xf32, #tpu.memory_space<vmem>> -> memref<1x128x64xf32, #tpu.memory_space<vmem>>
    %dma_start3A_38 = tpu.memref_squeeze %dma_start3A_37 : memref<1x128x64xf32, #tpu.memory_space<vmem>> -> memref<128x64xf32, #tpu.memory_space<vmem>>
    %dma_start3A_39 = arith.constant 0 : i32
    %dma_start3A_40 = tpu.memref_slice %arg5[%dma_start3A_32, %dma_start3A_39] : memref<200x128xi32, #tpu.memory_space<vmem>> -> memref<1x128xi32, #tpu.memory_space<vmem>>
    %dma_start3A_41 = tpu.memref_squeeze %dma_start3A_40 : memref<1x128xi32, #tpu.memory_space<vmem>> -> memref<128xi32, #tpu.memory_space<vmem>>
    %dma_start3A_42 = arith.constant 0 : i32
    %dma_start3A_43 = arith.constant 0 : i32
    %dma_start3A_44 = tpu.memref_slice %arg2[%dma_start3A_42, %dma_start3A_43] : memref<1000000x64xf32, #tpu.memory_space<hbm>> -> memref<1000000x64xf32, #tpu.memory_space<hbm>>
    %dma_start3A_45 = tpu.memref_slice %arg7[%dma_start3A_34] : memref<8x!tpu.dma_semaphore, #tpu.memory_space<semaphore_mem>> -> memref<1x!tpu.dma_semaphore, #tpu.memory_space<semaphore_mem>>
    %dma_start3A_46 = tpu.memref_squeeze %dma_start3A_45 : memref<1x!tpu.dma_semaphore, #tpu.memory_space<semaphore_mem>> -> memref<!tpu.dma_semaphore, #tpu.memory_space<semaphore_mem>>
    tpu.enqueue_indirect_dma source(%dma_start3A_44 : memref<1000000x64xf32, #tpu.memory_space<hbm>>) target(%dma_start3A_38 : memref<128x64xf32, #tpu.memory_space<vmem>>) offsets(%dma_start3A_41 : memref<128xi32, #tpu.memory_space<vmem>>) semaphore(%dma_start3A_46 : memref<!tpu.dma_semaphore, #tpu.memory_space<semaphore_mem>>)
    %dma_start3A_47 = arith.constant 3 : i32
    %dma_start3A_48 = arith.constant 3 : i32
    %dma_start3A_49 = arith.constant 3 : i32
    %dma_start3A_50 = arith.constant 0 : i32
    %dma_start3A_51 = arith.constant 0 : i32
    %dma_start3A_52 = tpu.memref_slice %arg6[%dma_start3A_48, %dma_start3A_50, %dma_start3A_51] : memref<8x128x64xf32, #tpu.memory_space<vmem>> -> memref<1x128x64xf32, #tpu.memory_space<vmem>>
    %dma_start3A_53 = tpu.memref_squeeze %dma_start3A_52 : memref<1x128x64xf32, #tpu.memory_space<vmem>> -> memref<128x64xf32, #tpu.memory_space<vmem>>
    %dma_start3A_54 = arith.constant 0 : i32
    %dma_start3A_55 = tpu.memref_slice %arg5[%dma_start3A_47, %dma_start3A_54] : memref<200x128xi32, #tpu.memory_space<vmem>> -> memref<1x128xi32, #tpu.memory_space<vmem>>
    %dma_start3A_56 = tpu.memref_squeeze %dma_start3A_55 : memref<1x128xi32, #tpu.memory_space<vmem>> -> memref<128xi32, #tpu.memory_space<vmem>>
    %dma_start3A_57 = arith.constant 0 : i32
    %dma_start3A_58 = arith.constant 0 : i32
    %dma_start3A_59 = tpu.memref_slice %arg2[%dma_start3A_57, %dma_start3A_58] : memref<1000000x64xf32, #tpu.memory_space<hbm>> -> memref<1000000x64xf32, #tpu.memory_space<hbm>>
    %dma_start3A_60 = tpu.memref_slice %arg7[%dma_start3A_49] : memref<8x!tpu.dma_semaphore, #tpu.memory_space<semaphore_mem>> -> memref<1x!tpu.dma_semaphore, #tpu.memory_space<semaphore_mem>>
    %dma_start3A_61 = tpu.memref_squeeze %dma_start3A_60 : memref<1x!tpu.dma_semaphore, #tpu.memory_space<semaphore_mem>> -> memref<!tpu.dma_semaphore, #tpu.memory_space<semaphore_mem>>
    tpu.enqueue_indirect_dma source(%dma_start3A_59 : memref<1000000x64xf32, #tpu.memory_space<hbm>>) target(%dma_start3A_53 : memref<128x64xf32, #tpu.memory_space<vmem>>) offsets(%dma_start3A_56 : memref<128xi32, #tpu.memory_space<vmem>>) semaphore(%dma_start3A_61 : memref<!tpu.dma_semaphore, #tpu.memory_space<semaphore_mem>>)
    %dma_start3A_62 = arith.constant 4 : i32
    %dma_start3A_63 = arith.constant 4 : i32
    %dma_start3A_64 = arith.constant 4 : i32
    %dma_start3A_65 = arith.constant 0 : i32
    %dma_start3A_66 = arith.constant 0 : i32
    %dma_start3A_67 = tpu.memref_slice %arg6[%dma_start3A_63, %dma_start3A_65, %dma_start3A_66] : memref<8x128x64xf32, #tpu.memory_space<vmem>> -> memref<1x128x64xf32, #tpu.memory_space<vmem>>
    %dma_start3A_68 = tpu.memref_squeeze %dma_start3A_67 : memref<1x128x64xf32, #tpu.memory_space<vmem>> -> memref<128x64xf32, #tpu.memory_space<vmem>>
    %dma_start3A_69 = arith.constant 0 : i32
    %dma_start3A_70 = tpu.memref_slice %arg5[%dma_start3A_62, %dma_start3A_69] : memref<200x128xi32, #tpu.memory_space<vmem>> -> memref<1x128xi32, #tpu.memory_space<vmem>>
    %dma_start3A_71 = tpu.memref_squeeze %dma_start3A_70 : memref<1x128xi32, #tpu.memory_space<vmem>> -> memref<128xi32, #tpu.memory_space<vmem>>
    %dma_start3A_72 = arith.constant 0 : i32
    %dma_start3A_73 = arith.constant 0 : i32
    %dma_start3A_74 = tpu.memref_slice %arg2[%dma_start3A_72, %dma_start3A_73] : memref<1000000x64xf32, #tpu.memory_space<hbm>> -> memref<1000000x64xf32, #tpu.memory_space<hbm>>
    %dma_start3A_75 = tpu.memref_slice %arg7[%dma_start3A_64] : memref<8x!tpu.dma_semaphore, #tpu.memory_space<semaphore_mem>> -> memref<1x!tpu.dma_semaphore, #tpu.memory_space<semaphore_mem>>
    %dma_start3A_76 = tpu.memref_squeeze %dma_start3A_75 : memref<1x!tpu.dma_semaphore, #tpu.memory_space<semaphore_mem>> -> memref<!tpu.dma_semaphore, #tpu.memory_space<semaphore_mem>>
    tpu.enqueue_indirect_dma source(%dma_start3A_74 : memref<1000000x64xf32, #tpu.memory_space<hbm>>) target(%dma_start3A_68 : memref<128x64xf32, #tpu.memory_space<vmem>>) offsets(%dma_start3A_71 : memref<128xi32, #tpu.memory_space<vmem>>) semaphore(%dma_start3A_76 : memref<!tpu.dma_semaphore, #tpu.memory_space<semaphore_mem>>)
    %dma_start3A_77 = arith.constant 5 : i32
    %dma_start3A_78 = arith.constant 5 : i32
    %dma_start3A_79 = arith.constant 5 : i32
    %dma_start3A_80 = arith.constant 0 : i32
    %dma_start3A_81 = arith.constant 0 : i32
    %dma_start3A_82 = tpu.memref_slice %arg6[%dma_start3A_78, %dma_start3A_80, %dma_start3A_81] : memref<8x128x64xf32, #tpu.memory_space<vmem>> -> memref<1x128x64xf32, #tpu.memory_space<vmem>>
    %dma_start3A_83 = tpu.memref_squeeze %dma_start3A_82 : memref<1x128x64xf32, #tpu.memory_space<vmem>> -> memref<128x64xf32, #tpu.memory_space<vmem>>
    %dma_start3A_84 = arith.constant 0 : i32
    %dma_start3A_85 = tpu.memref_slice %arg5[%dma_start3A_77, %dma_start3A_84] : memref<200x128xi32, #tpu.memory_space<vmem>> -> memref<1x128xi32, #tpu.memory_space<vmem>>
    %dma_start3A_86 = tpu.memref_squeeze %dma_start3A_85 : memref<1x128xi32, #tpu.memory_space<vmem>> -> memref<128xi32, #tpu.memory_space<vmem>>
    %dma_start3A_87 = arith.constant 0 : i32
    %dma_start3A_88 = arith.constant 0 : i32
    %dma_start3A_89 = tpu.memref_slice %arg2[%dma_start3A_87, %dma_start3A_88] : memref<1000000x64xf32, #tpu.memory_space<hbm>> -> memref<1000000x64xf32, #tpu.memory_space<hbm>>
    %dma_start3A_90 = tpu.memref_slice %arg7[%dma_start3A_79] : memref<8x!tpu.dma_semaphore, #tpu.memory_space<semaphore_mem>> -> memref<1x!tpu.dma_semaphore, #tpu.memory_space<semaphore_mem>>
    %dma_start3A_91 = tpu.memref_squeeze %dma_start3A_90 : memref<1x!tpu.dma_semaphore, #tpu.memory_space<semaphore_mem>> -> memref<!tpu.dma_semaphore, #tpu.memory_space<semaphore_mem>>
    tpu.enqueue_indirect_dma source(%dma_start3A_89 : memref<1000000x64xf32, #tpu.memory_space<hbm>>) target(%dma_start3A_83 : memref<128x64xf32, #tpu.memory_space<vmem>>) offsets(%dma_start3A_86 : memref<128xi32, #tpu.memory_space<vmem>>) semaphore(%dma_start3A_91 : memref<!tpu.dma_semaphore, #tpu.memory_space<semaphore_mem>>)
    %dma_start3A_92 = arith.constant 6 : i32
    %dma_start3A_93 = arith.constant 6 : i32
    %dma_start3A_94 = arith.constant 6 : i32
    %dma_start3A_95 = arith.constant 0 : i32
    %dma_start3A_96 = arith.constant 0 : i32
    %dma_start3A_97 = tpu.memref_slice %arg6[%dma_start3A_93, %dma_start3A_95, %dma_start3A_96] : memref<8x128x64xf32, #tpu.memory_space<vmem>> -> memref<1x128x64xf32, #tpu.memory_space<vmem>>
    %dma_start3A_98 = tpu.memref_squeeze %dma_start3A_97 : memref<1x128x64xf32, #tpu.memory_space<vmem>> -> memref<128x64xf32, #tpu.memory_space<vmem>>
    %dma_start3A_99 = arith.constant 0 : i32
    %dma_start3A_100 = tpu.memref_slice %arg5[%dma_start3A_92, %dma_start3A_99] : memref<200x128xi32, #tpu.memory_space<vmem>> -> memref<1x128xi32, #tpu.memory_space<vmem>>
    %dma_start3A_101 = tpu.memref_squeeze %dma_start3A_100 : memref<1x128xi32, #tpu.memory_space<vmem>> -> memref<128xi32, #tpu.memory_space<vmem>>
    %dma_start3A_102 = arith.constant 0 : i32
    %dma_start3A_103 = arith.constant 0 : i32
    %dma_start3A_104 = tpu.memref_slice %arg2[%dma_start3A_102, %dma_start3A_103] : memref<1000000x64xf32, #tpu.memory_space<hbm>> -> memref<1000000x64xf32, #tpu.memory_space<hbm>>
    %dma_start3A_105 = tpu.memref_slice %arg7[%dma_start3A_94] : memref<8x!tpu.dma_semaphore, #tpu.memory_space<semaphore_mem>> -> memref<1x!tpu.dma_semaphore, #tpu.memory_space<semaphore_mem>>
    %dma_start3A_106 = tpu.memref_squeeze %dma_start3A_105 : memref<1x!tpu.dma_semaphore, #tpu.memory_space<semaphore_mem>> -> memref<!tpu.dma_semaphore, #tpu.memory_space<semaphore_mem>>
    tpu.enqueue_indirect_dma source(%dma_start3A_104 : memref<1000000x64xf32, #tpu.memory_space<hbm>>) target(%dma_start3A_98 : memref<128x64xf32, #tpu.memory_space<vmem>>) offsets(%dma_start3A_101 : memref<128xi32, #tpu.memory_space<vmem>>) semaphore(%dma_start3A_106 : memref<!tpu.dma_semaphore, #tpu.memory_space<semaphore_mem>>)
    %dma_start3A_107 = arith.constant 7 : i32
    %dma_start3A_108 = arith.constant 7 : i32
    %dma_start3A_109 = arith.constant 7 : i32
    %dma_start3A_110 = arith.constant 0 : i32
    %dma_start3A_111 = arith.constant 0 : i32
    %dma_start3A_112 = tpu.memref_slice %arg6[%dma_start3A_108, %dma_start3A_110, %dma_start3A_111] : memref<8x128x64xf32, #tpu.memory_space<vmem>> -> memref<1x128x64xf32, #tpu.memory_space<vmem>>
    %dma_start3A_113 = tpu.memref_squeeze %dma_start3A_112 : memref<1x128x64xf32, #tpu.memory_space<vmem>> -> memref<128x64xf32, #tpu.memory_space<vmem>>
    %dma_start3A_114 = arith.constant 0 : i32
    %dma_start3A_115 = tpu.memref_slice %arg5[%dma_start3A_107, %dma_start3A_114] : memref<200x128xi32, #tpu.memory_space<vmem>> -> memref<1x128xi32, #tpu.memory_space<vmem>>
    %dma_start3A_116 = tpu.memref_squeeze %dma_start3A_115 : memref<1x128xi32, #tpu.memory_space<vmem>> -> memref<128xi32, #tpu.memory_space<vmem>>
    %dma_start3A_117 = arith.constant 0 : i32
    %dma_start3A_118 = arith.constant 0 : i32
    %dma_start3A_119 = tpu.memref_slice %arg2[%dma_start3A_117, %dma_start3A_118] : memref<1000000x64xf32, #tpu.memory_space<hbm>> -> memref<1000000x64xf32, #tpu.memory_space<hbm>>
    %dma_start3A_120 = tpu.memref_slice %arg7[%dma_start3A_109] : memref<8x!tpu.dma_semaphore, #tpu.memory_space<semaphore_mem>> -> memref<1x!tpu.dma_semaphore, #tpu.memory_space<semaphore_mem>>
    %dma_start3A_121 = tpu.memref_squeeze %dma_start3A_120 : memref<1x!tpu.dma_semaphore, #tpu.memory_space<semaphore_mem>> -> memref<!tpu.dma_semaphore, #tpu.memory_space<semaphore_mem>>
    tpu.enqueue_indirect_dma source(%dma_start3A_119 : memref<1000000x64xf32, #tpu.memory_space<hbm>>) target(%dma_start3A_113 : memref<128x64xf32, #tpu.memory_space<vmem>>) offsets(%dma_start3A_116 : memref<128xi32, #tpu.memory_space<vmem>>) semaphore(%dma_start3A_121 : memref<!tpu.dma_semaphore, #tpu.memory_space<semaphore_mem>>)
    %scan3A = arith.constant 0 : i32
    %scan3A_122 = arith.constant 0 : i32
    %scan3A_123 = arith.constant 25 : i32
    %scan3A_124 = arith.addi %scan3A_122, %scan3A_123 : i32
    %scan3A_125 = arith.constant 1 : i32
    scf.for %scan3A_127 = %scan3A_122 to %scan3A_124 step %scan3A_125  : i32 {
      %mul3A_128 = arith.constant 8 : i32
      %mul3A_129 = arith.muli %scan3A_127, %mul3A_128 : i32
      %add3A_130 = arith.constant 0 : i32
      %add3A_131 = arith.addi %mul3A_129, %add3A_130 : i32
      %dma_wait3A = arith.constant 0 : i32
      %dma_wait3A_132 = arith.constant 0 : i32
      %dma_wait3A_133 = arith.constant 0 : i32
      %dma_wait3A_134 = arith.constant 0 : i32
      %dma_wait3A_135 = tpu.memref_slice %arg6[%dma_wait3A, %dma_wait3A_133, %dma_wait3A_134] : memref<8x128x64xf32, #tpu.memory_space<vmem>> -> memref<1x128x64xf32, #tpu.memory_space<vmem>>
      %dma_wait3A_136 = tpu.memref_squeeze %dma_wait3A_135 : memref<1x128x64xf32, #tpu.memory_space<vmem>> -> memref<128x64xf32, #tpu.memory_space<vmem>>
      %dma_wait3A_137 = arith.constant 0 : i32
      %dma_wait3A_138 = arith.constant 0 : i32
      %dma_wait3A_139 = tpu.memref_slice %arg2[%dma_wait3A_137, %dma_wait3A_138] : memref<1000000x64xf32, #tpu.memory_space<hbm>> -> memref<128x64xf32, #tpu.memory_space<hbm>>
      %dma_wait3A_140 = tpu.memref_slice %arg7[%dma_wait3A_132] : memref<8x!tpu.dma_semaphore, #tpu.memory_space<semaphore_mem>> -> memref<1x!tpu.dma_semaphore, #tpu.memory_space<semaphore_mem>>
      %dma_wait3A_141 = tpu.memref_squeeze %dma_wait3A_140 : memref<1x!tpu.dma_semaphore, #tpu.memory_space<semaphore_mem>> -> memref<!tpu.dma_semaphore, #tpu.memory_space<semaphore_mem>>
      %dma_wait3A_142 = arith.constant 0 : i32
      %dma_wait3A_143 = arith.constant 0 : i32
      %dma_wait3A_144 = tpu.memref_slice %arg6[%dma_wait3A, %dma_wait3A_142, %dma_wait3A_143] : memref<8x128x64xf32, #tpu.memory_space<vmem>> -> memref<1x128x64xf32, #tpu.memory_space<vmem>>
      %dma_wait3A_145 = tpu.memref_squeeze %dma_wait3A_144 : memref<1x128x64xf32, #tpu.memory_space<vmem>> -> memref<128x64xf32, #tpu.memory_space<vmem>>
      %dma_wait3A_146 = arith.constant 0 : i32
      %dma_wait3A_147 = arith.constant 0 : i32
      %dma_wait3A_148 = tpu.memref_slice %arg2[%dma_wait3A_146, %dma_wait3A_147] : memref<1000000x64xf32, #tpu.memory_space<hbm>> -> memref<128x64xf32, #tpu.memory_space<hbm>>
      tpu.wait_dma2 semaphore(%dma_wait3A_141 : memref<!tpu.dma_semaphore, #tpu.memory_space<semaphore_mem>>) src(%dma_wait3A_148 : memref<128x64xf32, #tpu.memory_space<hbm>>) dst(%dma_wait3A_145 : memref<128x64xf32, #tpu.memory_space<vmem>>)
      %mul3A_149 = arith.constant 128 : i32
      %mul3A_150 = arith.muli %add3A_131, %mul3A_149 : i32
      %add3A_151 = arith.addi %mul3A_2, %mul3A_150 : i32
      %dma_start3A_152 = arith.constant 0 : i32
      %dma_start3A_153 = arith.constant 0 : i32
      %dma_start3A_154 = arith.constant 0 : i32
      %dma_start3A_155 = arith.constant 0 : i32
      %dma_start3A_156 = tpu.memref_slice %arg6[%dma_start3A_152, %dma_start3A_154, %dma_start3A_155] : memref<8x128x64xf32, #tpu.memory_space<vmem>> -> memref<1x128x64xf32, #tpu.memory_space<vmem>>
      %dma_start3A_157 = tpu.memref_squeeze %dma_start3A_156 : memref<1x128x64xf32, #tpu.memory_space<vmem>> -> memref<128x64xf32, #tpu.memory_space<vmem>>
      %dma_start3A_158 = arith.constant 0 : i32
      %dma_start3A_159 = tpu.memref_slice %arg4[%add3A_151, %dma_start3A_158] : memref<819200x64xf32, #tpu.memory_space<hbm>> -> memref<128x64xf32, #tpu.memory_space<hbm>>
      %dma_start3A_160 = tpu.memref_slice %arg8[%dma_start3A_153] : memref<8x!tpu.dma_semaphore, #tpu.memory_space<semaphore_mem>> -> memref<1x!tpu.dma_semaphore, #tpu.memory_space<semaphore_mem>>
      %dma_start3A_161 = tpu.memref_squeeze %dma_start3A_160 : memref<1x!tpu.dma_semaphore, #tpu.memory_space<semaphore_mem>> -> memref<!tpu.dma_semaphore, #tpu.memory_space<semaphore_mem>>
      %dma_start3A_162 = arith.constant 0 : i32
      %dma_start3A_163 = tpu.memref_slice %arg4[%add3A_151, %dma_start3A_162] : memref<819200x64xf32, #tpu.memory_space<hbm>> -> memref<128x64xf32, #tpu.memory_space<hbm>>
      %dma_start3A_164 = arith.constant 0 : i32
      %dma_start3A_165 = arith.constant 0 : i32
      %dma_start3A_166 = tpu.memref_slice %arg6[%dma_start3A_152, %dma_start3A_164, %dma_start3A_165] : memref<8x128x64xf32, #tpu.memory_space<vmem>> -> memref<1x128x64xf32, #tpu.memory_space<vmem>>
      %dma_start3A_167 = tpu.memref_squeeze %dma_start3A_166 : memref<1x128x64xf32, #tpu.memory_space<vmem>> -> memref<128x64xf32, #tpu.memory_space<vmem>>
      tpu.enqueue_dma source(%dma_start3A_167 : memref<128x64xf32, #tpu.memory_space<vmem>>) target(%dma_start3A_163 : memref<128x64xf32, #tpu.memory_space<hbm>>) target_semaphore(%dma_start3A_161 : memref<!tpu.dma_semaphore, #tpu.memory_space<semaphore_mem>>)
      %add3A_168 = arith.constant 1 : i32
      %add3A_169 = arith.addi %mul3A_129, %add3A_168 : i32
      %dma_wait3A_170 = arith.constant 1 : i32
      %dma_wait3A_171 = arith.constant 1 : i32
      %dma_wait3A_172 = arith.constant 0 : i32
      %dma_wait3A_173 = arith.constant 0 : i32
      %dma_wait3A_174 = tpu.memref_slice %arg6[%dma_wait3A_170, %dma_wait3A_172, %dma_wait3A_173] : memref<8x128x64xf32, #tpu.memory_space<vmem>> -> memref<1x128x64xf32, #tpu.memory_space<vmem>>
      %dma_wait3A_175 = tpu.memref_squeeze %dma_wait3A_174 : memref<1x128x64xf32, #tpu.memory_space<vmem>> -> memref<128x64xf32, #tpu.memory_space<vmem>>
      %dma_wait3A_176 = arith.constant 0 : i32
      %dma_wait3A_177 = arith.constant 0 : i32
      %dma_wait3A_178 = tpu.memref_slice %arg2[%dma_wait3A_176, %dma_wait3A_177] : memref<1000000x64xf32, #tpu.memory_space<hbm>> -> memref<128x64xf32, #tpu.memory_space<hbm>>
      %dma_wait3A_179 = tpu.memref_slice %arg7[%dma_wait3A_171] : memref<8x!tpu.dma_semaphore, #tpu.memory_space<semaphore_mem>> -> memref<1x!tpu.dma_semaphore, #tpu.memory_space<semaphore_mem>>
      %dma_wait3A_180 = tpu.memref_squeeze %dma_wait3A_179 : memref<1x!tpu.dma_semaphore, #tpu.memory_space<semaphore_mem>> -> memref<!tpu.dma_semaphore, #tpu.memory_space<semaphore_mem>>
      %dma_wait3A_181 = arith.constant 0 : i32
      %dma_wait3A_182 = arith.constant 0 : i32
      %dma_wait3A_183 = tpu.memref_slice %arg6[%dma_wait3A_170, %dma_wait3A_181, %dma_wait3A_182] : memref<8x128x64xf32, #tpu.memory_space<vmem>> -> memref<1x128x64xf32, #tpu.memory_space<vmem>>
      %dma_wait3A_184 = tpu.memref_squeeze %dma_wait3A_183 : memref<1x128x64xf32, #tpu.memory_space<vmem>> -> memref<128x64xf32, #tpu.memory_space<vmem>>
      %dma_wait3A_185 = arith.constant 0 : i32
      %dma_wait3A_186 = arith.constant 0 : i32
      %dma_wait3A_187 = tpu.memref_slice %arg2[%dma_wait3A_185, %dma_wait3A_186] : memref<1000000x64xf32, #tpu.memory_space<hbm>> -> memref<128x64xf32, #tpu.memory_space<hbm>>
      tpu.wait_dma2 semaphore(%dma_wait3A_180 : memref<!tpu.dma_semaphore, #tpu.memory_space<semaphore_mem>>) src(%dma_wait3A_187 : memref<128x64xf32, #tpu.memory_space<hbm>>) dst(%dma_wait3A_184 : memref<128x64xf32, #tpu.memory_space<vmem>>)
      %mul3A_188 = arith.constant 128 : i32
      %mul3A_189 = arith.muli %add3A_169, %mul3A_188 : i32
      %add3A_190 = arith.addi %mul3A_2, %mul3A_189 : i32
      %dma_start3A_191 = arith.constant 1 : i32
      %dma_start3A_192 = arith.constant 1 : i32
      %dma_start3A_193 = arith.constant 0 : i32
      %dma_start3A_194 = arith.constant 0 : i32
      %dma_start3A_195 = tpu.memref_slice %arg6[%dma_start3A_191, %dma_start3A_193, %dma_start3A_194] : memref<8x128x64xf32, #tpu.memory_space<vmem>> -> memref<1x128x64xf32, #tpu.memory_space<vmem>>
      %dma_start3A_196 = tpu.memref_squeeze %dma_start3A_195 : memref<1x128x64xf32, #tpu.memory_space<vmem>> -> memref<128x64xf32, #tpu.memory_space<vmem>>
      %dma_start3A_197 = arith.constant 0 : i32
      %dma_start3A_198 = tpu.memref_slice %arg4[%add3A_190, %dma_start3A_197] : memref<819200x64xf32, #tpu.memory_space<hbm>> -> memref<128x64xf32, #tpu.memory_space<hbm>>
      %dma_start3A_199 = tpu.memref_slice %arg8[%dma_start3A_192] : memref<8x!tpu.dma_semaphore, #tpu.memory_space<semaphore_mem>> -> memref<1x!tpu.dma_semaphore, #tpu.memory_space<semaphore_mem>>
      %dma_start3A_200 = tpu.memref_squeeze %dma_start3A_199 : memref<1x!tpu.dma_semaphore, #tpu.memory_space<semaphore_mem>> -> memref<!tpu.dma_semaphore, #tpu.memory_space<semaphore_mem>>
      %dma_start3A_201 = arith.constant 0 : i32
      %dma_start3A_202 = tpu.memref_slice %arg4[%add3A_190, %dma_start3A_201] : memref<819200x64xf32, #tpu.memory_space<hbm>> -> memref<128x64xf32, #tpu.memory_space<hbm>>
      %dma_start3A_203 = arith.constant 0 : i32
      %dma_start3A_204 = arith.constant 0 : i32
      %dma_start3A_205 = tpu.memref_slice %arg6[%dma_start3A_191, %dma_start3A_203, %dma_start3A_204] : memref<8x128x64xf32, #tpu.memory_space<vmem>> -> memref<1x128x64xf32, #tpu.memory_space<vmem>>
      %dma_start3A_206 = tpu.memref_squeeze %dma_start3A_205 : memref<1x128x64xf32, #tpu.memory_space<vmem>> -> memref<128x64xf32, #tpu.memory_space<vmem>>
      tpu.enqueue_dma source(%dma_start3A_206 : memref<128x64xf32, #tpu.memory_space<vmem>>) target(%dma_start3A_202 : memref<128x64xf32, #tpu.memory_space<hbm>>) target_semaphore(%dma_start3A_200 : memref<!tpu.dma_semaphore, #tpu.memory_space<semaphore_mem>>)
      %add3A_207 = arith.constant 2 : i32
      %add3A_208 = arith.addi %mul3A_129, %add3A_207 : i32
      %dma_wait3A_209 = arith.constant 2 : i32
      %dma_wait3A_210 = arith.constant 2 : i32
      %dma_wait3A_211 = arith.constant 0 : i32
      %dma_wait3A_212 = arith.constant 0 : i32
      %dma_wait3A_213 = tpu.memref_slice %arg6[%dma_wait3A_209, %dma_wait3A_211, %dma_wait3A_212] : memref<8x128x64xf32, #tpu.memory_space<vmem>> -> memref<1x128x64xf32, #tpu.memory_space<vmem>>
      %dma_wait3A_214 = tpu.memref_squeeze %dma_wait3A_213 : memref<1x128x64xf32, #tpu.memory_space<vmem>> -> memref<128x64xf32, #tpu.memory_space<vmem>>
      %dma_wait3A_215 = arith.constant 0 : i32
      %dma_wait3A_216 = arith.constant 0 : i32
      %dma_wait3A_217 = tpu.memref_slice %arg2[%dma_wait3A_215, %dma_wait3A_216] : memref<1000000x64xf32, #tpu.memory_space<hbm>> -> memref<128x64xf32, #tpu.memory_space<hbm>>
      %dma_wait3A_218 = tpu.memref_slice %arg7[%dma_wait3A_210] : memref<8x!tpu.dma_semaphore, #tpu.memory_space<semaphore_mem>> -> memref<1x!tpu.dma_semaphore, #tpu.memory_space<semaphore_mem>>
      %dma_wait3A_219 = tpu.memref_squeeze %dma_wait3A_218 : memref<1x!tpu.dma_semaphore, #tpu.memory_space<semaphore_mem>> -> memref<!tpu.dma_semaphore, #tpu.memory_space<semaphore_mem>>
      %dma_wait3A_220 = arith.constant 0 : i32
      %dma_wait3A_221 = arith.constant 0 : i32
      %dma_wait3A_222 = tpu.memref_slice %arg6[%dma_wait3A_209, %dma_wait3A_220, %dma_wait3A_221] : memref<8x128x64xf32, #tpu.memory_space<vmem>> -> memref<1x128x64xf32, #tpu.memory_space<vmem>>
      %dma_wait3A_223 = tpu.memref_squeeze %dma_wait3A_222 : memref<1x128x64xf32, #tpu.memory_space<vmem>> -> memref<128x64xf32, #tpu.memory_space<vmem>>
      %dma_wait3A_224 = arith.constant 0 : i32
      %dma_wait3A_225 = arith.constant 0 : i32
      %dma_wait3A_226 = tpu.memref_slice %arg2[%dma_wait3A_224, %dma_wait3A_225] : memref<1000000x64xf32, #tpu.memory_space<hbm>> -> memref<128x64xf32, #tpu.memory_space<hbm>>
      tpu.wait_dma2 semaphore(%dma_wait3A_219 : memref<!tpu.dma_semaphore, #tpu.memory_space<semaphore_mem>>) src(%dma_wait3A_226 : memref<128x64xf32, #tpu.memory_space<hbm>>) dst(%dma_wait3A_223 : memref<128x64xf32, #tpu.memory_space<vmem>>)
      %mul3A_227 = arith.constant 128 : i32
      %mul3A_228 = arith.muli %add3A_208, %mul3A_227 : i32
      %add3A_229 = arith.addi %mul3A_2, %mul3A_228 : i32
      %dma_start3A_230 = arith.constant 2 : i32
      %dma_start3A_231 = arith.constant 2 : i32
      %dma_start3A_232 = arith.constant 0 : i32
      %dma_start3A_233 = arith.constant 0 : i32
      %dma_start3A_234 = tpu.memref_slice %arg6[%dma_start3A_230, %dma_start3A_232, %dma_start3A_233] : memref<8x128x64xf32, #tpu.memory_space<vmem>> -> memref<1x128x64xf32, #tpu.memory_space<vmem>>
      %dma_start3A_235 = tpu.memref_squeeze %dma_start3A_234 : memref<1x128x64xf32, #tpu.memory_space<vmem>> -> memref<128x64xf32, #tpu.memory_space<vmem>>
      %dma_start3A_236 = arith.constant 0 : i32
      %dma_start3A_237 = tpu.memref_slice %arg4[%add3A_229, %dma_start3A_236] : memref<819200x64xf32, #tpu.memory_space<hbm>> -> memref<128x64xf32, #tpu.memory_space<hbm>>
      %dma_start3A_238 = tpu.memref_slice %arg8[%dma_start3A_231] : memref<8x!tpu.dma_semaphore, #tpu.memory_space<semaphore_mem>> -> memref<1x!tpu.dma_semaphore, #tpu.memory_space<semaphore_mem>>
      %dma_start3A_239 = tpu.memref_squeeze %dma_start3A_238 : memref<1x!tpu.dma_semaphore, #tpu.memory_space<semaphore_mem>> -> memref<!tpu.dma_semaphore, #tpu.memory_space<semaphore_mem>>
      %dma_start3A_240 = arith.constant 0 : i32
      %dma_start3A_241 = tpu.memref_slice %arg4[%add3A_229, %dma_start3A_240] : memref<819200x64xf32, #tpu.memory_space<hbm>> -> memref<128x64xf32, #tpu.memory_space<hbm>>
      %dma_start3A_242 = arith.constant 0 : i32
      %dma_start3A_243 = arith.constant 0 : i32
      %dma_start3A_244 = tpu.memref_slice %arg6[%dma_start3A_230, %dma_start3A_242, %dma_start3A_243] : memref<8x128x64xf32, #tpu.memory_space<vmem>> -> memref<1x128x64xf32, #tpu.memory_space<vmem>>
      %dma_start3A_245 = tpu.memref_squeeze %dma_start3A_244 : memref<1x128x64xf32, #tpu.memory_space<vmem>> -> memref<128x64xf32, #tpu.memory_space<vmem>>
      tpu.enqueue_dma source(%dma_start3A_245 : memref<128x64xf32, #tpu.memory_space<vmem>>) target(%dma_start3A_241 : memref<128x64xf32, #tpu.memory_space<hbm>>) target_semaphore(%dma_start3A_239 : memref<!tpu.dma_semaphore, #tpu.memory_space<semaphore_mem>>)
      %add3A_246 = arith.constant 3 : i32
      %add3A_247 = arith.addi %mul3A_129, %add3A_246 : i32
      %dma_wait3A_248 = arith.constant 3 : i32
      %dma_wait3A_249 = arith.constant 3 : i32
      %dma_wait3A_250 = arith.constant 0 : i32
      %dma_wait3A_251 = arith.constant 0 : i32
      %dma_wait3A_252 = tpu.memref_slice %arg6[%dma_wait3A_248, %dma_wait3A_250, %dma_wait3A_251] : memref<8x128x64xf32, #tpu.memory_space<vmem>> -> memref<1x128x64xf32, #tpu.memory_space<vmem>>
      %dma_wait3A_253 = tpu.memref_squeeze %dma_wait3A_252 : memref<1x128x64xf32, #tpu.memory_space<vmem>> -> memref<128x64xf32, #tpu.memory_space<vmem>>
      %dma_wait3A_254 = arith.constant 0 : i32
      %dma_wait3A_255 = arith.constant 0 : i32
      %dma_wait3A_256 = tpu.memref_slice %arg2[%dma_wait3A_254, %dma_wait3A_255] : memref<1000000x64xf32, #tpu.memory_space<hbm>> -> memref<128x64xf32, #tpu.memory_space<hbm>>
      %dma_wait3A_257 = tpu.memref_slice %arg7[%dma_wait3A_249] : memref<8x!tpu.dma_semaphore, #tpu.memory_space<semaphore_mem>> -> memref<1x!tpu.dma_semaphore, #tpu.memory_space<semaphore_mem>>
      %dma_wait3A_258 = tpu.memref_squeeze %dma_wait3A_257 : memref<1x!tpu.dma_semaphore, #tpu.memory_space<semaphore_mem>> -> memref<!tpu.dma_semaphore, #tpu.memory_space<semaphore_mem>>
      %dma_wait3A_259 = arith.constant 0 : i32
      %dma_wait3A_260 = arith.constant 0 : i32
      %dma_wait3A_261 = tpu.memref_slice %arg6[%dma_wait3A_248, %dma_wait3A_259, %dma_wait3A_260] : memref<8x128x64xf32, #tpu.memory_space<vmem>> -> memref<1x128x64xf32, #tpu.memory_space<vmem>>
      %dma_wait3A_262 = tpu.memref_squeeze %dma_wait3A_261 : memref<1x128x64xf32, #tpu.memory_space<vmem>> -> memref<128x64xf32, #tpu.memory_space<vmem>>
      %dma_wait3A_263 = arith.constant 0 : i32
      %dma_wait3A_264 = arith.constant 0 : i32
      %dma_wait3A_265 = tpu.memref_slice %arg2[%dma_wait3A_263, %dma_wait3A_264] : memref<1000000x64xf32, #tpu.memory_space<hbm>> -> memref<128x64xf32, #tpu.memory_space<hbm>>
      tpu.wait_dma2 semaphore(%dma_wait3A_258 : memref<!tpu.dma_semaphore, #tpu.memory_space<semaphore_mem>>) src(%dma_wait3A_265 : memref<128x64xf32, #tpu.memory_space<hbm>>) dst(%dma_wait3A_262 : memref<128x64xf32, #tpu.memory_space<vmem>>)
      %mul3A_266 = arith.constant 128 : i32
      %mul3A_267 = arith.muli %add3A_247, %mul3A_266 : i32
      %add3A_268 = arith.addi %mul3A_2, %mul3A_267 : i32
      %dma_start3A_269 = arith.constant 3 : i32
      %dma_start3A_270 = arith.constant 3 : i32
      %dma_start3A_271 = arith.constant 0 : i32
      %dma_start3A_272 = arith.constant 0 : i32
      %dma_start3A_273 = tpu.memref_slice %arg6[%dma_start3A_269, %dma_start3A_271, %dma_start3A_272] : memref<8x128x64xf32, #tpu.memory_space<vmem>> -> memref<1x128x64xf32, #tpu.memory_space<vmem>>
      %dma_start3A_274 = tpu.memref_squeeze %dma_start3A_273 : memref<1x128x64xf32, #tpu.memory_space<vmem>> -> memref<128x64xf32, #tpu.memory_space<vmem>>
      %dma_start3A_275 = arith.constant 0 : i32
      %dma_start3A_276 = tpu.memref_slice %arg4[%add3A_268, %dma_start3A_275] : memref<819200x64xf32, #tpu.memory_space<hbm>> -> memref<128x64xf32, #tpu.memory_space<hbm>>
      %dma_start3A_277 = tpu.memref_slice %arg8[%dma_start3A_270] : memref<8x!tpu.dma_semaphore, #tpu.memory_space<semaphore_mem>> -> memref<1x!tpu.dma_semaphore, #tpu.memory_space<semaphore_mem>>
      %dma_start3A_278 = tpu.memref_squeeze %dma_start3A_277 : memref<1x!tpu.dma_semaphore, #tpu.memory_space<semaphore_mem>> -> memref<!tpu.dma_semaphore, #tpu.memory_space<semaphore_mem>>
      %dma_start3A_279 = arith.constant 0 : i32
      %dma_start3A_280 = tpu.memref_slice %arg4[%add3A_268, %dma_start3A_279] : memref<819200x64xf32, #tpu.memory_space<hbm>> -> memref<128x64xf32, #tpu.memory_space<hbm>>
      %dma_start3A_281 = arith.constant 0 : i32
      %dma_start3A_282 = arith.constant 0 : i32
      %dma_start3A_283 = tpu.memref_slice %arg6[%dma_start3A_269, %dma_start3A_281, %dma_start3A_282] : memref<8x128x64xf32, #tpu.memory_space<vmem>> -> memref<1x128x64xf32, #tpu.memory_space<vmem>>
      %dma_start3A_284 = tpu.memref_squeeze %dma_start3A_283 : memref<1x128x64xf32, #tpu.memory_space<vmem>> -> memref<128x64xf32, #tpu.memory_space<vmem>>
      tpu.enqueue_dma source(%dma_start3A_284 : memref<128x64xf32, #tpu.memory_space<vmem>>) target(%dma_start3A_280 : memref<128x64xf32, #tpu.memory_space<hbm>>) target_semaphore(%dma_start3A_278 : memref<!tpu.dma_semaphore, #tpu.memory_space<semaphore_mem>>)
      %add3A_285 = arith.constant 4 : i32
      %add3A_286 = arith.addi %mul3A_129, %add3A_285 : i32
      %dma_wait3A_287 = arith.constant 4 : i32
      %dma_wait3A_288 = arith.constant 4 : i32
      %dma_wait3A_289 = arith.constant 0 : i32
      %dma_wait3A_290 = arith.constant 0 : i32
      %dma_wait3A_291 = tpu.memref_slice %arg6[%dma_wait3A_287, %dma_wait3A_289, %dma_wait3A_290] : memref<8x128x64xf32, #tpu.memory_space<vmem>> -> memref<1x128x64xf32, #tpu.memory_space<vmem>>
      %dma_wait3A_292 = tpu.memref_squeeze %dma_wait3A_291 : memref<1x128x64xf32, #tpu.memory_space<vmem>> -> memref<128x64xf32, #tpu.memory_space<vmem>>
      %dma_wait3A_293 = arith.constant 0 : i32
      %dma_wait3A_294 = arith.constant 0 : i32
      %dma_wait3A_295 = tpu.memref_slice %arg2[%dma_wait3A_293, %dma_wait3A_294] : memref<1000000x64xf32, #tpu.memory_space<hbm>> -> memref<128x64xf32, #tpu.memory_space<hbm>>
      %dma_wait3A_296 = tpu.memref_slice %arg7[%dma_wait3A_288] : memref<8x!tpu.dma_semaphore, #tpu.memory_space<semaphore_mem>> -> memref<1x!tpu.dma_semaphore, #tpu.memory_space<semaphore_mem>>
      %dma_wait3A_297 = tpu.memref_squeeze %dma_wait3A_296 : memref<1x!tpu.dma_semaphore, #tpu.memory_space<semaphore_mem>> -> memref<!tpu.dma_semaphore, #tpu.memory_space<semaphore_mem>>
      %dma_wait3A_298 = arith.constant 0 : i32
      %dma_wait3A_299 = arith.constant 0 : i32
      %dma_wait3A_300 = tpu.memref_slice %arg6[%dma_wait3A_287, %dma_wait3A_298, %dma_wait3A_299] : memref<8x128x64xf32, #tpu.memory_space<vmem>> -> memref<1x128x64xf32, #tpu.memory_space<vmem>>
      %dma_wait3A_301 = tpu.memref_squeeze %dma_wait3A_300 : memref<1x128x64xf32, #tpu.memory_space<vmem>> -> memref<128x64xf32, #tpu.memory_space<vmem>>
      %dma_wait3A_302 = arith.constant 0 : i32
      %dma_wait3A_303 = arith.constant 0 : i32
      %dma_wait3A_304 = tpu.memref_slice %arg2[%dma_wait3A_302, %dma_wait3A_303] : memref<1000000x64xf32, #tpu.memory_space<hbm>> -> memref<128x64xf32, #tpu.memory_space<hbm>>
      tpu.wait_dma2 semaphore(%dma_wait3A_297 : memref<!tpu.dma_semaphore, #tpu.memory_space<semaphore_mem>>) src(%dma_wait3A_304 : memref<128x64xf32, #tpu.memory_space<hbm>>) dst(%dma_wait3A_301 : memref<128x64xf32, #tpu.memory_space<vmem>>)
      %mul3A_305 = arith.constant 128 : i32
      %mul3A_306 = arith.muli %add3A_286, %mul3A_305 : i32
      %add3A_307 = arith.addi %mul3A_2, %mul3A_306 : i32
      %dma_start3A_308 = arith.constant 4 : i32
      %dma_start3A_309 = arith.constant 4 : i32
      %dma_start3A_310 = arith.constant 0 : i32
      %dma_start3A_311 = arith.constant 0 : i32
      %dma_start3A_312 = tpu.memref_slice %arg6[%dma_start3A_308, %dma_start3A_310, %dma_start3A_311] : memref<8x128x64xf32, #tpu.memory_space<vmem>> -> memref<1x128x64xf32, #tpu.memory_space<vmem>>
      %dma_start3A_313 = tpu.memref_squeeze %dma_start3A_312 : memref<1x128x64xf32, #tpu.memory_space<vmem>> -> memref<128x64xf32, #tpu.memory_space<vmem>>
      %dma_start3A_314 = arith.constant 0 : i32
      %dma_start3A_315 = tpu.memref_slice %arg4[%add3A_307, %dma_start3A_314] : memref<819200x64xf32, #tpu.memory_space<hbm>> -> memref<128x64xf32, #tpu.memory_space<hbm>>
      %dma_start3A_316 = tpu.memref_slice %arg8[%dma_start3A_309] : memref<8x!tpu.dma_semaphore, #tpu.memory_space<semaphore_mem>> -> memref<1x!tpu.dma_semaphore, #tpu.memory_space<semaphore_mem>>
      %dma_start3A_317 = tpu.memref_squeeze %dma_start3A_316 : memref<1x!tpu.dma_semaphore, #tpu.memory_space<semaphore_mem>> -> memref<!tpu.dma_semaphore, #tpu.memory_space<semaphore_mem>>
      %dma_start3A_318 = arith.constant 0 : i32
      %dma_start3A_319 = tpu.memref_slice %arg4[%add3A_307, %dma_start3A_318] : memref<819200x64xf32, #tpu.memory_space<hbm>> -> memref<128x64xf32, #tpu.memory_space<hbm>>
      %dma_start3A_320 = arith.constant 0 : i32
      %dma_start3A_321 = arith.constant 0 : i32
      %dma_start3A_322 = tpu.memref_slice %arg6[%dma_start3A_308, %dma_start3A_320, %dma_start3A_321] : memref<8x128x64xf32, #tpu.memory_space<vmem>> -> memref<1x128x64xf32, #tpu.memory_space<vmem>>
      %dma_start3A_323 = tpu.memref_squeeze %dma_start3A_322 : memref<1x128x64xf32, #tpu.memory_space<vmem>> -> memref<128x64xf32, #tpu.memory_space<vmem>>
      tpu.enqueue_dma source(%dma_start3A_323 : memref<128x64xf32, #tpu.memory_space<vmem>>) target(%dma_start3A_319 : memref<128x64xf32, #tpu.memory_space<hbm>>) target_semaphore(%dma_start3A_317 : memref<!tpu.dma_semaphore, #tpu.memory_space<semaphore_mem>>)
      %add3A_324 = arith.constant 5 : i32
      %add3A_325 = arith.addi %mul3A_129, %add3A_324 : i32
      %dma_wait3A_326 = arith.constant 5 : i32
      %dma_wait3A_327 = arith.constant 5 : i32
      %dma_wait3A_328 = arith.constant 0 : i32
      %dma_wait3A_329 = arith.constant 0 : i32
      %dma_wait3A_330 = tpu.memref_slice %arg6[%dma_wait3A_326, %dma_wait3A_328, %dma_wait3A_329] : memref<8x128x64xf32, #tpu.memory_space<vmem>> -> memref<1x128x64xf32, #tpu.memory_space<vmem>>
      %dma_wait3A_331 = tpu.memref_squeeze %dma_wait3A_330 : memref<1x128x64xf32, #tpu.memory_space<vmem>> -> memref<128x64xf32, #tpu.memory_space<vmem>>
      %dma_wait3A_332 = arith.constant 0 : i32
      %dma_wait3A_333 = arith.constant 0 : i32
      %dma_wait3A_334 = tpu.memref_slice %arg2[%dma_wait3A_332, %dma_wait3A_333] : memref<1000000x64xf32, #tpu.memory_space<hbm>> -> memref<128x64xf32, #tpu.memory_space<hbm>>
      %dma_wait3A_335 = tpu.memref_slice %arg7[%dma_wait3A_327] : memref<8x!tpu.dma_semaphore, #tpu.memory_space<semaphore_mem>> -> memref<1x!tpu.dma_semaphore, #tpu.memory_space<semaphore_mem>>
      %dma_wait3A_336 = tpu.memref_squeeze %dma_wait3A_335 : memref<1x!tpu.dma_semaphore, #tpu.memory_space<semaphore_mem>> -> memref<!tpu.dma_semaphore, #tpu.memory_space<semaphore_mem>>
      %dma_wait3A_337 = arith.constant 0 : i32
      %dma_wait3A_338 = arith.constant 0 : i32
      %dma_wait3A_339 = tpu.memref_slice %arg6[%dma_wait3A_326, %dma_wait3A_337, %dma_wait3A_338] : memref<8x128x64xf32, #tpu.memory_space<vmem>> -> memref<1x128x64xf32, #tpu.memory_space<vmem>>
      %dma_wait3A_340 = tpu.memref_squeeze %dma_wait3A_339 : memref<1x128x64xf32, #tpu.memory_space<vmem>> -> memref<128x64xf32, #tpu.memory_space<vmem>>
      %dma_wait3A_341 = arith.constant 0 : i32
      %dma_wait3A_342 = arith.constant 0 : i32
      %dma_wait3A_343 = tpu.memref_slice %arg2[%dma_wait3A_341, %dma_wait3A_342] : memref<1000000x64xf32, #tpu.memory_space<hbm>> -> memref<128x64xf32, #tpu.memory_space<hbm>>
      tpu.wait_dma2 semaphore(%dma_wait3A_336 : memref<!tpu.dma_semaphore, #tpu.memory_space<semaphore_mem>>) src(%dma_wait3A_343 : memref<128x64xf32, #tpu.memory_space<hbm>>) dst(%dma_wait3A_340 : memref<128x64xf32, #tpu.memory_space<vmem>>)
      %mul3A_344 = arith.constant 128 : i32
      %mul3A_345 = arith.muli %add3A_325, %mul3A_344 : i32
      %add3A_346 = arith.addi %mul3A_2, %mul3A_345 : i32
      %dma_start3A_347 = arith.constant 5 : i32
      %dma_start3A_348 = arith.constant 5 : i32
      %dma_start3A_349 = arith.constant 0 : i32
      %dma_start3A_350 = arith.constant 0 : i32
      %dma_start3A_351 = tpu.memref_slice %arg6[%dma_start3A_347, %dma_start3A_349, %dma_start3A_350] : memref<8x128x64xf32, #tpu.memory_space<vmem>> -> memref<1x128x64xf32, #tpu.memory_space<vmem>>
      %dma_start3A_352 = tpu.memref_squeeze %dma_start3A_351 : memref<1x128x64xf32, #tpu.memory_space<vmem>> -> memref<128x64xf32, #tpu.memory_space<vmem>>
      %dma_start3A_353 = arith.constant 0 : i32
      %dma_start3A_354 = tpu.memref_slice %arg4[%add3A_346, %dma_start3A_353] : memref<819200x64xf32, #tpu.memory_space<hbm>> -> memref<128x64xf32, #tpu.memory_space<hbm>>
      %dma_start3A_355 = tpu.memref_slice %arg8[%dma_start3A_348] : memref<8x!tpu.dma_semaphore, #tpu.memory_space<semaphore_mem>> -> memref<1x!tpu.dma_semaphore, #tpu.memory_space<semaphore_mem>>
      %dma_start3A_356 = tpu.memref_squeeze %dma_start3A_355 : memref<1x!tpu.dma_semaphore, #tpu.memory_space<semaphore_mem>> -> memref<!tpu.dma_semaphore, #tpu.memory_space<semaphore_mem>>
      %dma_start3A_357 = arith.constant 0 : i32
      %dma_start3A_358 = tpu.memref_slice %arg4[%add3A_346, %dma_start3A_357] : memref<819200x64xf32, #tpu.memory_space<hbm>> -> memref<128x64xf32, #tpu.memory_space<hbm>>
      %dma_start3A_359 = arith.constant 0 : i32
      %dma_start3A_360 = arith.constant 0 : i32
      %dma_start3A_361 = tpu.memref_slice %arg6[%dma_start3A_347, %dma_start3A_359, %dma_start3A_360] : memref<8x128x64xf32, #tpu.memory_space<vmem>> -> memref<1x128x64xf32, #tpu.memory_space<vmem>>
      %dma_start3A_362 = tpu.memref_squeeze %dma_start3A_361 : memref<1x128x64xf32, #tpu.memory_space<vmem>> -> memref<128x64xf32, #tpu.memory_space<vmem>>
      tpu.enqueue_dma source(%dma_start3A_362 : memref<128x64xf32, #tpu.memory_space<vmem>>) target(%dma_start3A_358 : memref<128x64xf32, #tpu.memory_space<hbm>>) target_semaphore(%dma_start3A_356 : memref<!tpu.dma_semaphore, #tpu.memory_space<semaphore_mem>>)
      %add3A_363 = arith.constant 6 : i32
      %add3A_364 = arith.addi %mul3A_129, %add3A_363 : i32
      %dma_wait3A_365 = arith.constant 6 : i32
      %dma_wait3A_366 = arith.constant 6 : i32
      %dma_wait3A_367 = arith.constant 0 : i32
      %dma_wait3A_368 = arith.constant 0 : i32
      %dma_wait3A_369 = tpu.memref_slice %arg6[%dma_wait3A_365, %dma_wait3A_367, %dma_wait3A_368] : memref<8x128x64xf32, #tpu.memory_space<vmem>> -> memref<1x128x64xf32, #tpu.memory_space<vmem>>
      %dma_wait3A_370 = tpu.memref_squeeze %dma_wait3A_369 : memref<1x128x64xf32, #tpu.memory_space<vmem>> -> memref<128x64xf32, #tpu.memory_space<vmem>>
      %dma_wait3A_371 = arith.constant 0 : i32
      %dma_wait3A_372 = arith.constant 0 : i32
      %dma_wait3A_373 = tpu.memref_slice %arg2[%dma_wait3A_371, %dma_wait3A_372] : memref<1000000x64xf32, #tpu.memory_space<hbm>> -> memref<128x64xf32, #tpu.memory_space<hbm>>
      %dma_wait3A_374 = tpu.memref_slice %arg7[%dma_wait3A_366] : memref<8x!tpu.dma_semaphore, #tpu.memory_space<semaphore_mem>> -> memref<1x!tpu.dma_semaphore, #tpu.memory_space<semaphore_mem>>
      %dma_wait3A_375 = tpu.memref_squeeze %dma_wait3A_374 : memref<1x!tpu.dma_semaphore, #tpu.memory_space<semaphore_mem>> -> memref<!tpu.dma_semaphore, #tpu.memory_space<semaphore_mem>>
      %dma_wait3A_376 = arith.constant 0 : i32
      %dma_wait3A_377 = arith.constant 0 : i32
      %dma_wait3A_378 = tpu.memref_slice %arg6[%dma_wait3A_365, %dma_wait3A_376, %dma_wait3A_377] : memref<8x128x64xf32, #tpu.memory_space<vmem>> -> memref<1x128x64xf32, #tpu.memory_space<vmem>>
      %dma_wait3A_379 = tpu.memref_squeeze %dma_wait3A_378 : memref<1x128x64xf32, #tpu.memory_space<vmem>> -> memref<128x64xf32, #tpu.memory_space<vmem>>
      %dma_wait3A_380 = arith.constant 0 : i32
      %dma_wait3A_381 = arith.constant 0 : i32
      %dma_wait3A_382 = tpu.memref_slice %arg2[%dma_wait3A_380, %dma_wait3A_381] : memref<1000000x64xf32, #tpu.memory_space<hbm>> -> memref<128x64xf32, #tpu.memory_space<hbm>>
      tpu.wait_dma2 semaphore(%dma_wait3A_375 : memref<!tpu.dma_semaphore, #tpu.memory_space<semaphore_mem>>) src(%dma_wait3A_382 : memref<128x64xf32, #tpu.memory_space<hbm>>) dst(%dma_wait3A_379 : memref<128x64xf32, #tpu.memory_space<vmem>>)
      %mul3A_383 = arith.constant 128 : i32
      %mul3A_384 = arith.muli %add3A_364, %mul3A_383 : i32
      %add3A_385 = arith.addi %mul3A_2, %mul3A_384 : i32
      %dma_start3A_386 = arith.constant 6 : i32
      %dma_start3A_387 = arith.constant 6 : i32
      %dma_start3A_388 = arith.constant 0 : i32
      %dma_start3A_389 = arith.constant 0 : i32
      %dma_start3A_390 = tpu.memref_slice %arg6[%dma_start3A_386, %dma_start3A_388, %dma_start3A_389] : memref<8x128x64xf32, #tpu.memory_space<vmem>> -> memref<1x128x64xf32, #tpu.memory_space<vmem>>
      %dma_start3A_391 = tpu.memref_squeeze %dma_start3A_390 : memref<1x128x64xf32, #tpu.memory_space<vmem>> -> memref<128x64xf32, #tpu.memory_space<vmem>>
      %dma_start3A_392 = arith.constant 0 : i32
      %dma_start3A_393 = tpu.memref_slice %arg4[%add3A_385, %dma_start3A_392] : memref<819200x64xf32, #tpu.memory_space<hbm>> -> memref<128x64xf32, #tpu.memory_space<hbm>>
      %dma_start3A_394 = tpu.memref_slice %arg8[%dma_start3A_387] : memref<8x!tpu.dma_semaphore, #tpu.memory_space<semaphore_mem>> -> memref<1x!tpu.dma_semaphore, #tpu.memory_space<semaphore_mem>>
      %dma_start3A_395 = tpu.memref_squeeze %dma_start3A_394 : memref<1x!tpu.dma_semaphore, #tpu.memory_space<semaphore_mem>> -> memref<!tpu.dma_semaphore, #tpu.memory_space<semaphore_mem>>
      %dma_start3A_396 = arith.constant 0 : i32
      %dma_start3A_397 = tpu.memref_slice %arg4[%add3A_385, %dma_start3A_396] : memref<819200x64xf32, #tpu.memory_space<hbm>> -> memref<128x64xf32, #tpu.memory_space<hbm>>
      %dma_start3A_398 = arith.constant 0 : i32
      %dma_start3A_399 = arith.constant 0 : i32
      %dma_start3A_400 = tpu.memref_slice %arg6[%dma_start3A_386, %dma_start3A_398, %dma_start3A_399] : memref<8x128x64xf32, #tpu.memory_space<vmem>> -> memref<1x128x64xf32, #tpu.memory_space<vmem>>
      %dma_start3A_401 = tpu.memref_squeeze %dma_start3A_400 : memref<1x128x64xf32, #tpu.memory_space<vmem>> -> memref<128x64xf32, #tpu.memory_space<vmem>>
      tpu.enqueue_dma source(%dma_start3A_401 : memref<128x64xf32, #tpu.memory_space<vmem>>) target(%dma_start3A_397 : memref<128x64xf32, #tpu.memory_space<hbm>>) target_semaphore(%dma_start3A_395 : memref<!tpu.dma_semaphore, #tpu.memory_space<semaphore_mem>>)
      %add3A_402 = arith.constant 7 : i32
      %add3A_403 = arith.addi %mul3A_129, %add3A_402 : i32
      %dma_wait3A_404 = arith.constant 7 : i32
      %dma_wait3A_405 = arith.constant 7 : i32
      %dma_wait3A_406 = arith.constant 0 : i32
      %dma_wait3A_407 = arith.constant 0 : i32
      %dma_wait3A_408 = tpu.memref_slice %arg6[%dma_wait3A_404, %dma_wait3A_406, %dma_wait3A_407] : memref<8x128x64xf32, #tpu.memory_space<vmem>> -> memref<1x128x64xf32, #tpu.memory_space<vmem>>
      %dma_wait3A_409 = tpu.memref_squeeze %dma_wait3A_408 : memref<1x128x64xf32, #tpu.memory_space<vmem>> -> memref<128x64xf32, #tpu.memory_space<vmem>>
      %dma_wait3A_410 = arith.constant 0 : i32
      %dma_wait3A_411 = arith.constant 0 : i32
      %dma_wait3A_412 = tpu.memref_slice %arg2[%dma_wait3A_410, %dma_wait3A_411] : memref<1000000x64xf32, #tpu.memory_space<hbm>> -> memref<128x64xf32, #tpu.memory_space<hbm>>
      %dma_wait3A_413 = tpu.memref_slice %arg7[%dma_wait3A_405] : memref<8x!tpu.dma_semaphore, #tpu.memory_space<semaphore_mem>> -> memref<1x!tpu.dma_semaphore, #tpu.memory_space<semaphore_mem>>
      %dma_wait3A_414 = tpu.memref_squeeze %dma_wait3A_413 : memref<1x!tpu.dma_semaphore, #tpu.memory_space<semaphore_mem>> -> memref<!tpu.dma_semaphore, #tpu.memory_space<semaphore_mem>>
      %dma_wait3A_415 = arith.constant 0 : i32
      %dma_wait3A_416 = arith.constant 0 : i32
      %dma_wait3A_417 = tpu.memref_slice %arg6[%dma_wait3A_404, %dma_wait3A_415, %dma_wait3A_416] : memref<8x128x64xf32, #tpu.memory_space<vmem>> -> memref<1x128x64xf32, #tpu.memory_space<vmem>>
      %dma_wait3A_418 = tpu.memref_squeeze %dma_wait3A_417 : memref<1x128x64xf32, #tpu.memory_space<vmem>> -> memref<128x64xf32, #tpu.memory_space<vmem>>
      %dma_wait3A_419 = arith.constant 0 : i32
      %dma_wait3A_420 = arith.constant 0 : i32
      %dma_wait3A_421 = tpu.memref_slice %arg2[%dma_wait3A_419, %dma_wait3A_420] : memref<1000000x64xf32, #tpu.memory_space<hbm>> -> memref<128x64xf32, #tpu.memory_space<hbm>>
      tpu.wait_dma2 semaphore(%dma_wait3A_414 : memref<!tpu.dma_semaphore, #tpu.memory_space<semaphore_mem>>) src(%dma_wait3A_421 : memref<128x64xf32, #tpu.memory_space<hbm>>) dst(%dma_wait3A_418 : memref<128x64xf32, #tpu.memory_space<vmem>>)
      %mul3A_422 = arith.constant 128 : i32
      %mul3A_423 = arith.muli %add3A_403, %mul3A_422 : i32
      %add3A_424 = arith.addi %mul3A_2, %mul3A_423 : i32
      %dma_start3A_425 = arith.constant 7 : i32
      %dma_start3A_426 = arith.constant 7 : i32
      %dma_start3A_427 = arith.constant 0 : i32
      %dma_start3A_428 = arith.constant 0 : i32
      %dma_start3A_429 = tpu.memref_slice %arg6[%dma_start3A_425, %dma_start3A_427, %dma_start3A_428] : memref<8x128x64xf32, #tpu.memory_space<vmem>> -> memref<1x128x64xf32, #tpu.memory_space<vmem>>
      %dma_start3A_430 = tpu.memref_squeeze %dma_start3A_429 : memref<1x128x64xf32, #tpu.memory_space<vmem>> -> memref<128x64xf32, #tpu.memory_space<vmem>>
      %dma_start3A_431 = arith.constant 0 : i32
      %dma_start3A_432 = tpu.memref_slice %arg4[%add3A_424, %dma_start3A_431] : memref<819200x64xf32, #tpu.memory_space<hbm>> -> memref<128x64xf32, #tpu.memory_space<hbm>>
      %dma_start3A_433 = tpu.memref_slice %arg8[%dma_start3A_426] : memref<8x!tpu.dma_semaphore, #tpu.memory_space<semaphore_mem>> -> memref<1x!tpu.dma_semaphore, #tpu.memory_space<semaphore_mem>>
      %dma_start3A_434 = tpu.memref_squeeze %dma_start3A_433 : memref<1x!tpu.dma_semaphore, #tpu.memory_space<semaphore_mem>> -> memref<!tpu.dma_semaphore, #tpu.memory_space<semaphore_mem>>
      %dma_start3A_435 = arith.constant 0 : i32
      %dma_start3A_436 = tpu.memref_slice %arg4[%add3A_424, %dma_start3A_435] : memref<819200x64xf32, #tpu.memory_space<hbm>> -> memref<128x64xf32, #tpu.memory_space<hbm>>
      %dma_start3A_437 = arith.constant 0 : i32
      %dma_start3A_438 = arith.constant 0 : i32
      %dma_start3A_439 = tpu.memref_slice %arg6[%dma_start3A_425, %dma_start3A_437, %dma_start3A_438] : memref<8x128x64xf32, #tpu.memory_space<vmem>> -> memref<1x128x64xf32, #tpu.memory_space<vmem>>
      %dma_start3A_440 = tpu.memref_squeeze %dma_start3A_439 : memref<1x128x64xf32, #tpu.memory_space<vmem>> -> memref<128x64xf32, #tpu.memory_space<vmem>>
      tpu.enqueue_dma source(%dma_start3A_440 : memref<128x64xf32, #tpu.memory_space<vmem>>) target(%dma_start3A_436 : memref<128x64xf32, #tpu.memory_space<hbm>>) target_semaphore(%dma_start3A_434 : memref<!tpu.dma_semaphore, #tpu.memory_space<semaphore_mem>>)
      %dma_wait3A_441 = arith.constant 0 : i32
      %dma_wait3A_442 = arith.constant 0 : i32
      %dma_wait3A_443 = arith.constant 0 : i32
      %dma_wait3A_444 = arith.constant 0 : i32
      %dma_wait3A_445 = tpu.memref_slice %arg6[%dma_wait3A_441, %dma_wait3A_443, %dma_wait3A_444] : memref<8x128x64xf32, #tpu.memory_space<vmem>> -> memref<1x128x64xf32, #tpu.memory_space<vmem>>
      %dma_wait3A_446 = tpu.memref_squeeze %dma_wait3A_445 : memref<1x128x64xf32, #tpu.memory_space<vmem>> -> memref<128x64xf32, #tpu.memory_space<vmem>>
      %dma_wait3A_447 = arith.constant 0 : i32
      %dma_wait3A_448 = tpu.memref_slice %arg4[%add3A_151, %dma_wait3A_447] : memref<819200x64xf32, #tpu.memory_space<hbm>> -> memref<128x64xf32, #tpu.memory_space<hbm>>
      %dma_wait3A_449 = tpu.memref_slice %arg8[%dma_wait3A_442] : memref<8x!tpu.dma_semaphore, #tpu.memory_space<semaphore_mem>> -> memref<1x!tpu.dma_semaphore, #tpu.memory_space<semaphore_mem>>
      %dma_wait3A_450 = tpu.memref_squeeze %dma_wait3A_449 : memref<1x!tpu.dma_semaphore, #tpu.memory_space<semaphore_mem>> -> memref<!tpu.dma_semaphore, #tpu.memory_space<semaphore_mem>>
      %dma_wait3A_451 = arith.constant 0 : i32
      %dma_wait3A_452 = tpu.memref_slice %arg4[%add3A_151, %dma_wait3A_451] : memref<819200x64xf32, #tpu.memory_space<hbm>> -> memref<128x64xf32, #tpu.memory_space<hbm>>
      %dma_wait3A_453 = arith.constant 0 : i32
      %dma_wait3A_454 = arith.constant 0 : i32
      %dma_wait3A_455 = tpu.memref_slice %arg6[%dma_wait3A_441, %dma_wait3A_453, %dma_wait3A_454] : memref<8x128x64xf32, #tpu.memory_space<vmem>> -> memref<1x128x64xf32, #tpu.memory_space<vmem>>
      %dma_wait3A_456 = tpu.memref_squeeze %dma_wait3A_455 : memref<1x128x64xf32, #tpu.memory_space<vmem>> -> memref<128x64xf32, #tpu.memory_space<vmem>>
      tpu.wait_dma2 semaphore(%dma_wait3A_450 : memref<!tpu.dma_semaphore, #tpu.memory_space<semaphore_mem>>) src(%dma_wait3A_456 : memref<128x64xf32, #tpu.memory_space<vmem>>) dst(%dma_wait3A_452 : memref<128x64xf32, #tpu.memory_space<hbm>>)
      %add3A_457 = arith.constant 0 : i32
      %add3A_458 = arith.addi %mul3A_129, %add3A_457 : i32
      %add3A_459 = arith.constant 8 : i32
      %add3A_460 = arith.addi %add3A_458, %add3A_459 : i32
      %lt3A = arith.constant 200 : i32
      %lt3A_461 = arith.cmpi slt, %add3A_460, %lt3A : i32
      %convert_element_type3A = arith.extui %lt3A_461 : i1 to i32
      %cond3A = arith.constant 0 : i32
      %cond3A_462 = arith.cmpi ne, %convert_element_type3A, %cond3A : i32
      scf.if %cond3A_462 {
        %dma_start3A_638 = arith.constant 0 : i32
        %dma_start3A_639 = arith.constant 0 : i32
        %dma_start3A_640 = arith.constant 0 : i32
        %dma_start3A_641 = arith.constant 0 : i32
        %dma_start3A_642 = tpu.memref_slice %arg6[%dma_start3A_638, %dma_start3A_640, %dma_start3A_641] : memref<8x128x64xf32, #tpu.memory_space<vmem>> -> memref<1x128x64xf32, #tpu.memory_space<vmem>>
        %dma_start3A_643 = tpu.memref_squeeze %dma_start3A_642 : memref<1x128x64xf32, #tpu.memory_space<vmem>> -> memref<128x64xf32, #tpu.memory_space<vmem>>
        %dma_start3A_644 = arith.constant 0 : i32
        %dma_start3A_645 = tpu.memref_slice %arg5[%add3A_460, %dma_start3A_644] : memref<200x128xi32, #tpu.memory_space<vmem>> -> memref<1x128xi32, #tpu.memory_space<vmem>>
        %dma_start3A_646 = tpu.memref_squeeze %dma_start3A_645 : memref<1x128xi32, #tpu.memory_space<vmem>> -> memref<128xi32, #tpu.memory_space<vmem>>
        %dma_start3A_647 = arith.constant 0 : i32
        %dma_start3A_648 = arith.constant 0 : i32
        %dma_start3A_649 = tpu.memref_slice %arg2[%dma_start3A_647, %dma_start3A_648] : memref<1000000x64xf32, #tpu.memory_space<hbm>> -> memref<1000000x64xf32, #tpu.memory_space<hbm>>
        %dma_start3A_650 = tpu.memref_slice %arg7[%dma_start3A_639] : memref<8x!tpu.dma_semaphore, #tpu.memory_space<semaphore_mem>> -> memref<1x!tpu.dma_semaphore, #tpu.memory_space<semaphore_mem>>
        %dma_start3A_651 = tpu.memref_squeeze %dma_start3A_650 : memref<1x!tpu.dma_semaphore, #tpu.memory_space<semaphore_mem>> -> memref<!tpu.dma_semaphore, #tpu.memory_space<semaphore_mem>>
        tpu.enqueue_indirect_dma source(%dma_start3A_649 : memref<1000000x64xf32, #tpu.memory_space<hbm>>) target(%dma_start3A_643 : memref<128x64xf32, #tpu.memory_space<vmem>>) offsets(%dma_start3A_646 : memref<128xi32, #tpu.memory_space<vmem>>) semaphore(%dma_start3A_651 : memref<!tpu.dma_semaphore, #tpu.memory_space<semaphore_mem>>)
      } else {
      }
      %dma_wait3A_463 = arith.constant 1 : i32
      %dma_wait3A_464 = arith.constant 1 : i32
      %dma_wait3A_465 = arith.constant 0 : i32
      %dma_wait3A_466 = arith.constant 0 : i32
      %dma_wait3A_467 = tpu.memref_slice %arg6[%dma_wait3A_463, %dma_wait3A_465, %dma_wait3A_466] : memref<8x128x64xf32, #tpu.memory_space<vmem>> -> memref<1x128x64xf32, #tpu.memory_space<vmem>>
      %dma_wait3A_468 = tpu.memref_squeeze %dma_wait3A_467 : memref<1x128x64xf32, #tpu.memory_space<vmem>> -> memref<128x64xf32, #tpu.memory_space<vmem>>
      %dma_wait3A_469 = arith.constant 0 : i32
      %dma_wait3A_470 = tpu.memref_slice %arg4[%add3A_190, %dma_wait3A_469] : memref<819200x64xf32, #tpu.memory_space<hbm>> -> memref<128x64xf32, #tpu.memory_space<hbm>>
      %dma_wait3A_471 = tpu.memref_slice %arg8[%dma_wait3A_464] : memref<8x!tpu.dma_semaphore, #tpu.memory_space<semaphore_mem>> -> memref<1x!tpu.dma_semaphore, #tpu.memory_space<semaphore_mem>>
      %dma_wait3A_472 = tpu.memref_squeeze %dma_wait3A_471 : memref<1x!tpu.dma_semaphore, #tpu.memory_space<semaphore_mem>> -> memref<!tpu.dma_semaphore, #tpu.memory_space<semaphore_mem>>
      %dma_wait3A_473 = arith.constant 0 : i32
      %dma_wait3A_474 = tpu.memref_slice %arg4[%add3A_190, %dma_wait3A_473] : memref<819200x64xf32, #tpu.memory_space<hbm>> -> memref<128x64xf32, #tpu.memory_space<hbm>>
      %dma_wait3A_475 = arith.constant 0 : i32
      %dma_wait3A_476 = arith.constant 0 : i32
      %dma_wait3A_477 = tpu.memref_slice %arg6[%dma_wait3A_463, %dma_wait3A_475, %dma_wait3A_476] : memref<8x128x64xf32, #tpu.memory_space<vmem>> -> memref<1x128x64xf32, #tpu.memory_space<vmem>>
      %dma_wait3A_478 = tpu.memref_squeeze %dma_wait3A_477 : memref<1x128x64xf32, #tpu.memory_space<vmem>> -> memref<128x64xf32, #tpu.memory_space<vmem>>
      tpu.wait_dma2 semaphore(%dma_wait3A_472 : memref<!tpu.dma_semaphore, #tpu.memory_space<semaphore_mem>>) src(%dma_wait3A_478 : memref<128x64xf32, #tpu.memory_space<vmem>>) dst(%dma_wait3A_474 : memref<128x64xf32, #tpu.memory_space<hbm>>)
      %add3A_479 = arith.constant 1 : i32
      %add3A_480 = arith.addi %mul3A_129, %add3A_479 : i32
      %add3A_481 = arith.constant 8 : i32
      %add3A_482 = arith.addi %add3A_480, %add3A_481 : i32
      %lt3A_483 = arith.constant 200 : i32
      %lt3A_484 = arith.cmpi slt, %add3A_482, %lt3A_483 : i32
      %convert_element_type3A_485 = arith.extui %lt3A_484 : i1 to i32
      %cond3A_486 = arith.constant 0 : i32
      %cond3A_487 = arith.cmpi ne, %convert_element_type3A_485, %cond3A_486 : i32
      scf.if %cond3A_487 {
        %dma_start3A_638 = arith.constant 1 : i32
        %dma_start3A_639 = arith.constant 1 : i32
        %dma_start3A_640 = arith.constant 0 : i32
        %dma_start3A_641 = arith.constant 0 : i32
        %dma_start3A_642 = tpu.memref_slice %arg6[%dma_start3A_638, %dma_start3A_640, %dma_start3A_641] : memref<8x128x64xf32, #tpu.memory_space<vmem>> -> memref<1x128x64xf32, #tpu.memory_space<vmem>>
        %dma_start3A_643 = tpu.memref_squeeze %dma_start3A_642 : memref<1x128x64xf32, #tpu.memory_space<vmem>> -> memref<128x64xf32, #tpu.memory_space<vmem>>
        %dma_start3A_644 = arith.constant 0 : i32
        %dma_start3A_645 = tpu.memref_slice %arg5[%add3A_482, %dma_start3A_644] : memref<200x128xi32, #tpu.memory_space<vmem>> -> memref<1x128xi32, #tpu.memory_space<vmem>>
        %dma_start3A_646 = tpu.memref_squeeze %dma_start3A_645 : memref<1x128xi32, #tpu.memory_space<vmem>> -> memref<128xi32, #tpu.memory_space<vmem>>
        %dma_start3A_647 = arith.constant 0 : i32
        %dma_start3A_648 = arith.constant 0 : i32
        %dma_start3A_649 = tpu.memref_slice %arg2[%dma_start3A_647, %dma_start3A_648] : memref<1000000x64xf32, #tpu.memory_space<hbm>> -> memref<1000000x64xf32, #tpu.memory_space<hbm>>
        %dma_start3A_650 = tpu.memref_slice %arg7[%dma_start3A_639] : memref<8x!tpu.dma_semaphore, #tpu.memory_space<semaphore_mem>> -> memref<1x!tpu.dma_semaphore, #tpu.memory_space<semaphore_mem>>
        %dma_start3A_651 = tpu.memref_squeeze %dma_start3A_650 : memref<1x!tpu.dma_semaphore, #tpu.memory_space<semaphore_mem>> -> memref<!tpu.dma_semaphore, #tpu.memory_space<semaphore_mem>>
        tpu.enqueue_indirect_dma source(%dma_start3A_649 : memref<1000000x64xf32, #tpu.memory_space<hbm>>) target(%dma_start3A_643 : memref<128x64xf32, #tpu.memory_space<vmem>>) offsets(%dma_start3A_646 : memref<128xi32, #tpu.memory_space<vmem>>) semaphore(%dma_start3A_651 : memref<!tpu.dma_semaphore, #tpu.memory_space<semaphore_mem>>)
      } else {
      }
      %dma_wait3A_488 = arith.constant 2 : i32
      %dma_wait3A_489 = arith.constant 2 : i32
      %dma_wait3A_490 = arith.constant 0 : i32
      %dma_wait3A_491 = arith.constant 0 : i32
      %dma_wait3A_492 = tpu.memref_slice %arg6[%dma_wait3A_488, %dma_wait3A_490, %dma_wait3A_491] : memref<8x128x64xf32, #tpu.memory_space<vmem>> -> memref<1x128x64xf32, #tpu.memory_space<vmem>>
      %dma_wait3A_493 = tpu.memref_squeeze %dma_wait3A_492 : memref<1x128x64xf32, #tpu.memory_space<vmem>> -> memref<128x64xf32, #tpu.memory_space<vmem>>
      %dma_wait3A_494 = arith.constant 0 : i32
      %dma_wait3A_495 = tpu.memref_slice %arg4[%add3A_229, %dma_wait3A_494] : memref<819200x64xf32, #tpu.memory_space<hbm>> -> memref<128x64xf32, #tpu.memory_space<hbm>>
      %dma_wait3A_496 = tpu.memref_slice %arg8[%dma_wait3A_489] : memref<8x!tpu.dma_semaphore, #tpu.memory_space<semaphore_mem>> -> memref<1x!tpu.dma_semaphore, #tpu.memory_space<semaphore_mem>>
      %dma_wait3A_497 = tpu.memref_squeeze %dma_wait3A_496 : memref<1x!tpu.dma_semaphore, #tpu.memory_space<semaphore_mem>> -> memref<!tpu.dma_semaphore, #tpu.memory_space<semaphore_mem>>
      %dma_wait3A_498 = arith.constant 0 : i32
      %dma_wait3A_499 = tpu.memref_slice %arg4[%add3A_229, %dma_wait3A_498] : memref<819200x64xf32, #tpu.memory_space<hbm>> -> memref<128x64xf32, #tpu.memory_space<hbm>>
      %dma_wait3A_500 = arith.constant 0 : i32
      %dma_wait3A_501 = arith.constant 0 : i32
      %dma_wait3A_502 = tpu.memref_slice %arg6[%dma_wait3A_488, %dma_wait3A_500, %dma_wait3A_501] : memref<8x128x64xf32, #tpu.memory_space<vmem>> -> memref<1x128x64xf32, #tpu.memory_space<vmem>>
      %dma_wait3A_503 = tpu.memref_squeeze %dma_wait3A_502 : memref<1x128x64xf32, #tpu.memory_space<vmem>> -> memref<128x64xf32, #tpu.memory_space<vmem>>
      tpu.wait_dma2 semaphore(%dma_wait3A_497 : memref<!tpu.dma_semaphore, #tpu.memory_space<semaphore_mem>>) src(%dma_wait3A_503 : memref<128x64xf32, #tpu.memory_space<vmem>>) dst(%dma_wait3A_499 : memref<128x64xf32, #tpu.memory_space<hbm>>)
      %add3A_504 = arith.constant 2 : i32
      %add3A_505 = arith.addi %mul3A_129, %add3A_504 : i32
      %add3A_506 = arith.constant 8 : i32
      %add3A_507 = arith.addi %add3A_505, %add3A_506 : i32
      %lt3A_508 = arith.constant 200 : i32
      %lt3A_509 = arith.cmpi slt, %add3A_507, %lt3A_508 : i32
      %convert_element_type3A_510 = arith.extui %lt3A_509 : i1 to i32
      %cond3A_511 = arith.constant 0 : i32
      %cond3A_512 = arith.cmpi ne, %convert_element_type3A_510, %cond3A_511 : i32
      scf.if %cond3A_512 {
        %dma_start3A_638 = arith.constant 2 : i32
        %dma_start3A_639 = arith.constant 2 : i32
        %dma_start3A_640 = arith.constant 0 : i32
        %dma_start3A_641 = arith.constant 0 : i32
        %dma_start3A_642 = tpu.memref_slice %arg6[%dma_start3A_638, %dma_start3A_640, %dma_start3A_641] : memref<8x128x64xf32, #tpu.memory_space<vmem>> -> memref<1x128x64xf32, #tpu.memory_space<vmem>>
        %dma_start3A_643 = tpu.memref_squeeze %dma_start3A_642 : memref<1x128x64xf32, #tpu.memory_space<vmem>> -> memref<128x64xf32, #tpu.memory_space<vmem>>
        %dma_start3A_644 = arith.constant 0 : i32
        %dma_start3A_645 = tpu.memref_slice %arg5[%add3A_507, %dma_start3A_644] : memref<200x128xi32, #tpu.memory_space<vmem>> -> memref<1x128xi32, #tpu.memory_space<vmem>>
        %dma_start3A_646 = tpu.memref_squeeze %dma_start3A_645 : memref<1x128xi32, #tpu.memory_space<vmem>> -> memref<128xi32, #tpu.memory_space<vmem>>
        %dma_start3A_647 = arith.constant 0 : i32
        %dma_start3A_648 = arith.constant 0 : i32
        %dma_start3A_649 = tpu.memref_slice %arg2[%dma_start3A_647, %dma_start3A_648] : memref<1000000x64xf32, #tpu.memory_space<hbm>> -> memref<1000000x64xf32, #tpu.memory_space<hbm>>
        %dma_start3A_650 = tpu.memref_slice %arg7[%dma_start3A_639] : memref<8x!tpu.dma_semaphore, #tpu.memory_space<semaphore_mem>> -> memref<1x!tpu.dma_semaphore, #tpu.memory_space<semaphore_mem>>
        %dma_start3A_651 = tpu.memref_squeeze %dma_start3A_650 : memref<1x!tpu.dma_semaphore, #tpu.memory_space<semaphore_mem>> -> memref<!tpu.dma_semaphore, #tpu.memory_space<semaphore_mem>>
        tpu.enqueue_indirect_dma source(%dma_start3A_649 : memref<1000000x64xf32, #tpu.memory_space<hbm>>) target(%dma_start3A_643 : memref<128x64xf32, #tpu.memory_space<vmem>>) offsets(%dma_start3A_646 : memref<128xi32, #tpu.memory_space<vmem>>) semaphore(%dma_start3A_651 : memref<!tpu.dma_semaphore, #tpu.memory_space<semaphore_mem>>)
      } else {
      }
      %dma_wait3A_513 = arith.constant 3 : i32
      %dma_wait3A_514 = arith.constant 3 : i32
      %dma_wait3A_515 = arith.constant 0 : i32
      %dma_wait3A_516 = arith.constant 0 : i32
      %dma_wait3A_517 = tpu.memref_slice %arg6[%dma_wait3A_513, %dma_wait3A_515, %dma_wait3A_516] : memref<8x128x64xf32, #tpu.memory_space<vmem>> -> memref<1x128x64xf32, #tpu.memory_space<vmem>>
      %dma_wait3A_518 = tpu.memref_squeeze %dma_wait3A_517 : memref<1x128x64xf32, #tpu.memory_space<vmem>> -> memref<128x64xf32, #tpu.memory_space<vmem>>
      %dma_wait3A_519 = arith.constant 0 : i32
      %dma_wait3A_520 = tpu.memref_slice %arg4[%add3A_268, %dma_wait3A_519] : memref<819200x64xf32, #tpu.memory_space<hbm>> -> memref<128x64xf32, #tpu.memory_space<hbm>>
      %dma_wait3A_521 = tpu.memref_slice %arg8[%dma_wait3A_514] : memref<8x!tpu.dma_semaphore, #tpu.memory_space<semaphore_mem>> -> memref<1x!tpu.dma_semaphore, #tpu.memory_space<semaphore_mem>>
      %dma_wait3A_522 = tpu.memref_squeeze %dma_wait3A_521 : memref<1x!tpu.dma_semaphore, #tpu.memory_space<semaphore_mem>> -> memref<!tpu.dma_semaphore, #tpu.memory_space<semaphore_mem>>
      %dma_wait3A_523 = arith.constant 0 : i32
      %dma_wait3A_524 = tpu.memref_slice %arg4[%add3A_268, %dma_wait3A_523] : memref<819200x64xf32, #tpu.memory_space<hbm>> -> memref<128x64xf32, #tpu.memory_space<hbm>>
      %dma_wait3A_525 = arith.constant 0 : i32
      %dma_wait3A_526 = arith.constant 0 : i32
      %dma_wait3A_527 = tpu.memref_slice %arg6[%dma_wait3A_513, %dma_wait3A_525, %dma_wait3A_526] : memref<8x128x64xf32, #tpu.memory_space<vmem>> -> memref<1x128x64xf32, #tpu.memory_space<vmem>>
      %dma_wait3A_528 = tpu.memref_squeeze %dma_wait3A_527 : memref<1x128x64xf32, #tpu.memory_space<vmem>> -> memref<128x64xf32, #tpu.memory_space<vmem>>
      tpu.wait_dma2 semaphore(%dma_wait3A_522 : memref<!tpu.dma_semaphore, #tpu.memory_space<semaphore_mem>>) src(%dma_wait3A_528 : memref<128x64xf32, #tpu.memory_space<vmem>>) dst(%dma_wait3A_524 : memref<128x64xf32, #tpu.memory_space<hbm>>)
      %add3A_529 = arith.constant 3 : i32
      %add3A_530 = arith.addi %mul3A_129, %add3A_529 : i32
      %add3A_531 = arith.constant 8 : i32
      %add3A_532 = arith.addi %add3A_530, %add3A_531 : i32
      %lt3A_533 = arith.constant 200 : i32
      %lt3A_534 = arith.cmpi slt, %add3A_532, %lt3A_533 : i32
      %convert_element_type3A_535 = arith.extui %lt3A_534 : i1 to i32
      %cond3A_536 = arith.constant 0 : i32
      %cond3A_537 = arith.cmpi ne, %convert_element_type3A_535, %cond3A_536 : i32
      scf.if %cond3A_537 {
        %dma_start3A_638 = arith.constant 3 : i32
        %dma_start3A_639 = arith.constant 3 : i32
        %dma_start3A_640 = arith.constant 0 : i32
        %dma_start3A_641 = arith.constant 0 : i32
        %dma_start3A_642 = tpu.memref_slice %arg6[%dma_start3A_638, %dma_start3A_640, %dma_start3A_641] : memref<8x128x64xf32, #tpu.memory_space<vmem>> -> memref<1x128x64xf32, #tpu.memory_space<vmem>>
        %dma_start3A_643 = tpu.memref_squeeze %dma_start3A_642 : memref<1x128x64xf32, #tpu.memory_space<vmem>> -> memref<128x64xf32, #tpu.memory_space<vmem>>
        %dma_start3A_644 = arith.constant 0 : i32
        %dma_start3A_645 = tpu.memref_slice %arg5[%add3A_532, %dma_start3A_644] : memref<200x128xi32, #tpu.memory_space<vmem>> -> memref<1x128xi32, #tpu.memory_space<vmem>>
        %dma_start3A_646 = tpu.memref_squeeze %dma_start3A_645 : memref<1x128xi32, #tpu.memory_space<vmem>> -> memref<128xi32, #tpu.memory_space<vmem>>
        %dma_start3A_647 = arith.constant 0 : i32
        %dma_start3A_648 = arith.constant 0 : i32
        %dma_start3A_649 = tpu.memref_slice %arg2[%dma_start3A_647, %dma_start3A_648] : memref<1000000x64xf32, #tpu.memory_space<hbm>> -> memref<1000000x64xf32, #tpu.memory_space<hbm>>
        %dma_start3A_650 = tpu.memref_slice %arg7[%dma_start3A_639] : memref<8x!tpu.dma_semaphore, #tpu.memory_space<semaphore_mem>> -> memref<1x!tpu.dma_semaphore, #tpu.memory_space<semaphore_mem>>
        %dma_start3A_651 = tpu.memref_squeeze %dma_start3A_650 : memref<1x!tpu.dma_semaphore, #tpu.memory_space<semaphore_mem>> -> memref<!tpu.dma_semaphore, #tpu.memory_space<semaphore_mem>>
        tpu.enqueue_indirect_dma source(%dma_start3A_649 : memref<1000000x64xf32, #tpu.memory_space<hbm>>) target(%dma_start3A_643 : memref<128x64xf32, #tpu.memory_space<vmem>>) offsets(%dma_start3A_646 : memref<128xi32, #tpu.memory_space<vmem>>) semaphore(%dma_start3A_651 : memref<!tpu.dma_semaphore, #tpu.memory_space<semaphore_mem>>)
      } else {
      }
      %dma_wait3A_538 = arith.constant 4 : i32
      %dma_wait3A_539 = arith.constant 4 : i32
      %dma_wait3A_540 = arith.constant 0 : i32
      %dma_wait3A_541 = arith.constant 0 : i32
      %dma_wait3A_542 = tpu.memref_slice %arg6[%dma_wait3A_538, %dma_wait3A_540, %dma_wait3A_541] : memref<8x128x64xf32, #tpu.memory_space<vmem>> -> memref<1x128x64xf32, #tpu.memory_space<vmem>>
      %dma_wait3A_543 = tpu.memref_squeeze %dma_wait3A_542 : memref<1x128x64xf32, #tpu.memory_space<vmem>> -> memref<128x64xf32, #tpu.memory_space<vmem>>
      %dma_wait3A_544 = arith.constant 0 : i32
      %dma_wait3A_545 = tpu.memref_slice %arg4[%add3A_307, %dma_wait3A_544] : memref<819200x64xf32, #tpu.memory_space<hbm>> -> memref<128x64xf32, #tpu.memory_space<hbm>>
      %dma_wait3A_546 = tpu.memref_slice %arg8[%dma_wait3A_539] : memref<8x!tpu.dma_semaphore, #tpu.memory_space<semaphore_mem>> -> memref<1x!tpu.dma_semaphore, #tpu.memory_space<semaphore_mem>>
      %dma_wait3A_547 = tpu.memref_squeeze %dma_wait3A_546 : memref<1x!tpu.dma_semaphore, #tpu.memory_space<semaphore_mem>> -> memref<!tpu.dma_semaphore, #tpu.memory_space<semaphore_mem>>
      %dma_wait3A_548 = arith.constant 0 : i32
      %dma_wait3A_549 = tpu.memref_slice %arg4[%add3A_307, %dma_wait3A_548] : memref<819200x64xf32, #tpu.memory_space<hbm>> -> memref<128x64xf32, #tpu.memory_space<hbm>>
      %dma_wait3A_550 = arith.constant 0 : i32
      %dma_wait3A_551 = arith.constant 0 : i32
      %dma_wait3A_552 = tpu.memref_slice %arg6[%dma_wait3A_538, %dma_wait3A_550, %dma_wait3A_551] : memref<8x128x64xf32, #tpu.memory_space<vmem>> -> memref<1x128x64xf32, #tpu.memory_space<vmem>>
      %dma_wait3A_553 = tpu.memref_squeeze %dma_wait3A_552 : memref<1x128x64xf32, #tpu.memory_space<vmem>> -> memref<128x64xf32, #tpu.memory_space<vmem>>
      tpu.wait_dma2 semaphore(%dma_wait3A_547 : memref<!tpu.dma_semaphore, #tpu.memory_space<semaphore_mem>>) src(%dma_wait3A_553 : memref<128x64xf32, #tpu.memory_space<vmem>>) dst(%dma_wait3A_549 : memref<128x64xf32, #tpu.memory_space<hbm>>)
      %add3A_554 = arith.constant 4 : i32
      %add3A_555 = arith.addi %mul3A_129, %add3A_554 : i32
      %add3A_556 = arith.constant 8 : i32
      %add3A_557 = arith.addi %add3A_555, %add3A_556 : i32
      %lt3A_558 = arith.constant 200 : i32
      %lt3A_559 = arith.cmpi slt, %add3A_557, %lt3A_558 : i32
      %convert_element_type3A_560 = arith.extui %lt3A_559 : i1 to i32
      %cond3A_561 = arith.constant 0 : i32
      %cond3A_562 = arith.cmpi ne, %convert_element_type3A_560, %cond3A_561 : i32
      scf.if %cond3A_562 {
        %dma_start3A_638 = arith.constant 4 : i32
        %dma_start3A_639 = arith.constant 4 : i32
        %dma_start3A_640 = arith.constant 0 : i32
        %dma_start3A_641 = arith.constant 0 : i32
        %dma_start3A_642 = tpu.memref_slice %arg6[%dma_start3A_638, %dma_start3A_640, %dma_start3A_641] : memref<8x128x64xf32, #tpu.memory_space<vmem>> -> memref<1x128x64xf32, #tpu.memory_space<vmem>>
        %dma_start3A_643 = tpu.memref_squeeze %dma_start3A_642 : memref<1x128x64xf32, #tpu.memory_space<vmem>> -> memref<128x64xf32, #tpu.memory_space<vmem>>
        %dma_start3A_644 = arith.constant 0 : i32
        %dma_start3A_645 = tpu.memref_slice %arg5[%add3A_557, %dma_start3A_644] : memref<200x128xi32, #tpu.memory_space<vmem>> -> memref<1x128xi32, #tpu.memory_space<vmem>>
        %dma_start3A_646 = tpu.memref_squeeze %dma_start3A_645 : memref<1x128xi32, #tpu.memory_space<vmem>> -> memref<128xi32, #tpu.memory_space<vmem>>
        %dma_start3A_647 = arith.constant 0 : i32
        %dma_start3A_648 = arith.constant 0 : i32
        %dma_start3A_649 = tpu.memref_slice %arg2[%dma_start3A_647, %dma_start3A_648] : memref<1000000x64xf32, #tpu.memory_space<hbm>> -> memref<1000000x64xf32, #tpu.memory_space<hbm>>
        %dma_start3A_650 = tpu.memref_slice %arg7[%dma_start3A_639] : memref<8x!tpu.dma_semaphore, #tpu.memory_space<semaphore_mem>> -> memref<1x!tpu.dma_semaphore, #tpu.memory_space<semaphore_mem>>
        %dma_start3A_651 = tpu.memref_squeeze %dma_start3A_650 : memref<1x!tpu.dma_semaphore, #tpu.memory_space<semaphore_mem>> -> memref<!tpu.dma_semaphore, #tpu.memory_space<semaphore_mem>>
        tpu.enqueue_indirect_dma source(%dma_start3A_649 : memref<1000000x64xf32, #tpu.memory_space<hbm>>) target(%dma_start3A_643 : memref<128x64xf32, #tpu.memory_space<vmem>>) offsets(%dma_start3A_646 : memref<128xi32, #tpu.memory_space<vmem>>) semaphore(%dma_start3A_651 : memref<!tpu.dma_semaphore, #tpu.memory_space<semaphore_mem>>)
      } else {
      }
      %dma_wait3A_563 = arith.constant 5 : i32
      %dma_wait3A_564 = arith.constant 5 : i32
      %dma_wait3A_565 = arith.constant 0 : i32
      %dma_wait3A_566 = arith.constant 0 : i32
      %dma_wait3A_567 = tpu.memref_slice %arg6[%dma_wait3A_563, %dma_wait3A_565, %dma_wait3A_566] : memref<8x128x64xf32, #tpu.memory_space<vmem>> -> memref<1x128x64xf32, #tpu.memory_space<vmem>>
      %dma_wait3A_568 = tpu.memref_squeeze %dma_wait3A_567 : memref<1x128x64xf32, #tpu.memory_space<vmem>> -> memref<128x64xf32, #tpu.memory_space<vmem>>
      %dma_wait3A_569 = arith.constant 0 : i32
      %dma_wait3A_570 = tpu.memref_slice %arg4[%add3A_346, %dma_wait3A_569] : memref<819200x64xf32, #tpu.memory_space<hbm>> -> memref<128x64xf32, #tpu.memory_space<hbm>>
      %dma_wait3A_571 = tpu.memref_slice %arg8[%dma_wait3A_564] : memref<8x!tpu.dma_semaphore, #tpu.memory_space<semaphore_mem>> -> memref<1x!tpu.dma_semaphore, #tpu.memory_space<semaphore_mem>>
      %dma_wait3A_572 = tpu.memref_squeeze %dma_wait3A_571 : memref<1x!tpu.dma_semaphore, #tpu.memory_space<semaphore_mem>> -> memref<!tpu.dma_semaphore, #tpu.memory_space<semaphore_mem>>
      %dma_wait3A_573 = arith.constant 0 : i32
      %dma_wait3A_574 = tpu.memref_slice %arg4[%add3A_346, %dma_wait3A_573] : memref<819200x64xf32, #tpu.memory_space<hbm>> -> memref<128x64xf32, #tpu.memory_space<hbm>>
      %dma_wait3A_575 = arith.constant 0 : i32
      %dma_wait3A_576 = arith.constant 0 : i32
      %dma_wait3A_577 = tpu.memref_slice %arg6[%dma_wait3A_563, %dma_wait3A_575, %dma_wait3A_576] : memref<8x128x64xf32, #tpu.memory_space<vmem>> -> memref<1x128x64xf32, #tpu.memory_space<vmem>>
      %dma_wait3A_578 = tpu.memref_squeeze %dma_wait3A_577 : memref<1x128x64xf32, #tpu.memory_space<vmem>> -> memref<128x64xf32, #tpu.memory_space<vmem>>
      tpu.wait_dma2 semaphore(%dma_wait3A_572 : memref<!tpu.dma_semaphore, #tpu.memory_space<semaphore_mem>>) src(%dma_wait3A_578 : memref<128x64xf32, #tpu.memory_space<vmem>>) dst(%dma_wait3A_574 : memref<128x64xf32, #tpu.memory_space<hbm>>)
      %add3A_579 = arith.constant 5 : i32
      %add3A_580 = arith.addi %mul3A_129, %add3A_579 : i32
      %add3A_581 = arith.constant 8 : i32
      %add3A_582 = arith.addi %add3A_580, %add3A_581 : i32
      %lt3A_583 = arith.constant 200 : i32
      %lt3A_584 = arith.cmpi slt, %add3A_582, %lt3A_583 : i32
      %convert_element_type3A_585 = arith.extui %lt3A_584 : i1 to i32
      %cond3A_586 = arith.constant 0 : i32
      %cond3A_587 = arith.cmpi ne, %convert_element_type3A_585, %cond3A_586 : i32
      scf.if %cond3A_587 {
        %dma_start3A_638 = arith.constant 5 : i32
        %dma_start3A_639 = arith.constant 5 : i32
        %dma_start3A_640 = arith.constant 0 : i32
        %dma_start3A_641 = arith.constant 0 : i32
        %dma_start3A_642 = tpu.memref_slice %arg6[%dma_start3A_638, %dma_start3A_640, %dma_start3A_641] : memref<8x128x64xf32, #tpu.memory_space<vmem>> -> memref<1x128x64xf32, #tpu.memory_space<vmem>>
        %dma_start3A_643 = tpu.memref_squeeze %dma_start3A_642 : memref<1x128x64xf32, #tpu.memory_space<vmem>> -> memref<128x64xf32, #tpu.memory_space<vmem>>
        %dma_start3A_644 = arith.constant 0 : i32
        %dma_start3A_645 = tpu.memref_slice %arg5[%add3A_582, %dma_start3A_644] : memref<200x128xi32, #tpu.memory_space<vmem>> -> memref<1x128xi32, #tpu.memory_space<vmem>>
        %dma_start3A_646 = tpu.memref_squeeze %dma_start3A_645 : memref<1x128xi32, #tpu.memory_space<vmem>> -> memref<128xi32, #tpu.memory_space<vmem>>
        %dma_start3A_647 = arith.constant 0 : i32
        %dma_start3A_648 = arith.constant 0 : i32
        %dma_start3A_649 = tpu.memref_slice %arg2[%dma_start3A_647, %dma_start3A_648] : memref<1000000x64xf32, #tpu.memory_space<hbm>> -> memref<1000000x64xf32, #tpu.memory_space<hbm>>
        %dma_start3A_650 = tpu.memref_slice %arg7[%dma_start3A_639] : memref<8x!tpu.dma_semaphore, #tpu.memory_space<semaphore_mem>> -> memref<1x!tpu.dma_semaphore, #tpu.memory_space<semaphore_mem>>
        %dma_start3A_651 = tpu.memref_squeeze %dma_start3A_650 : memref<1x!tpu.dma_semaphore, #tpu.memory_space<semaphore_mem>> -> memref<!tpu.dma_semaphore, #tpu.memory_space<semaphore_mem>>
        tpu.enqueue_indirect_dma source(%dma_start3A_649 : memref<1000000x64xf32, #tpu.memory_space<hbm>>) target(%dma_start3A_643 : memref<128x64xf32, #tpu.memory_space<vmem>>) offsets(%dma_start3A_646 : memref<128xi32, #tpu.memory_space<vmem>>) semaphore(%dma_start3A_651 : memref<!tpu.dma_semaphore, #tpu.memory_space<semaphore_mem>>)
      } else {
      }
      %dma_wait3A_588 = arith.constant 6 : i32
      %dma_wait3A_589 = arith.constant 6 : i32
      %dma_wait3A_590 = arith.constant 0 : i32
      %dma_wait3A_591 = arith.constant 0 : i32
      %dma_wait3A_592 = tpu.memref_slice %arg6[%dma_wait3A_588, %dma_wait3A_590, %dma_wait3A_591] : memref<8x128x64xf32, #tpu.memory_space<vmem>> -> memref<1x128x64xf32, #tpu.memory_space<vmem>>
      %dma_wait3A_593 = tpu.memref_squeeze %dma_wait3A_592 : memref<1x128x64xf32, #tpu.memory_space<vmem>> -> memref<128x64xf32, #tpu.memory_space<vmem>>
      %dma_wait3A_594 = arith.constant 0 : i32
      %dma_wait3A_595 = tpu.memref_slice %arg4[%add3A_385, %dma_wait3A_594] : memref<819200x64xf32, #tpu.memory_space<hbm>> -> memref<128x64xf32, #tpu.memory_space<hbm>>
      %dma_wait3A_596 = tpu.memref_slice %arg8[%dma_wait3A_589] : memref<8x!tpu.dma_semaphore, #tpu.memory_space<semaphore_mem>> -> memref<1x!tpu.dma_semaphore, #tpu.memory_space<semaphore_mem>>
      %dma_wait3A_597 = tpu.memref_squeeze %dma_wait3A_596 : memref<1x!tpu.dma_semaphore, #tpu.memory_space<semaphore_mem>> -> memref<!tpu.dma_semaphore, #tpu.memory_space<semaphore_mem>>
      %dma_wait3A_598 = arith.constant 0 : i32
      %dma_wait3A_599 = tpu.memref_slice %arg4[%add3A_385, %dma_wait3A_598] : memref<819200x64xf32, #tpu.memory_space<hbm>> -> memref<128x64xf32, #tpu.memory_space<hbm>>
      %dma_wait3A_600 = arith.constant 0 : i32
      %dma_wait3A_601 = arith.constant 0 : i32
      %dma_wait3A_602 = tpu.memref_slice %arg6[%dma_wait3A_588, %dma_wait3A_600, %dma_wait3A_601] : memref<8x128x64xf32, #tpu.memory_space<vmem>> -> memref<1x128x64xf32, #tpu.memory_space<vmem>>
      %dma_wait3A_603 = tpu.memref_squeeze %dma_wait3A_602 : memref<1x128x64xf32, #tpu.memory_space<vmem>> -> memref<128x64xf32, #tpu.memory_space<vmem>>
      tpu.wait_dma2 semaphore(%dma_wait3A_597 : memref<!tpu.dma_semaphore, #tpu.memory_space<semaphore_mem>>) src(%dma_wait3A_603 : memref<128x64xf32, #tpu.memory_space<vmem>>) dst(%dma_wait3A_599 : memref<128x64xf32, #tpu.memory_space<hbm>>)
      %add3A_604 = arith.constant 6 : i32
      %add3A_605 = arith.addi %mul3A_129, %add3A_604 : i32
      %add3A_606 = arith.constant 8 : i32
      %add3A_607 = arith.addi %add3A_605, %add3A_606 : i32
      %lt3A_608 = arith.constant 200 : i32
      %lt3A_609 = arith.cmpi slt, %add3A_607, %lt3A_608 : i32
      %convert_element_type3A_610 = arith.extui %lt3A_609 : i1 to i32
      %cond3A_611 = arith.constant 0 : i32
      %cond3A_612 = arith.cmpi ne, %convert_element_type3A_610, %cond3A_611 : i32
      scf.if %cond3A_612 {
        %dma_start3A_638 = arith.constant 6 : i32
        %dma_start3A_639 = arith.constant 6 : i32
        %dma_start3A_640 = arith.constant 0 : i32
        %dma_start3A_641 = arith.constant 0 : i32
        %dma_start3A_642 = tpu.memref_slice %arg6[%dma_start3A_638, %dma_start3A_640, %dma_start3A_641] : memref<8x128x64xf32, #tpu.memory_space<vmem>> -> memref<1x128x64xf32, #tpu.memory_space<vmem>>
        %dma_start3A_643 = tpu.memref_squeeze %dma_start3A_642 : memref<1x128x64xf32, #tpu.memory_space<vmem>> -> memref<128x64xf32, #tpu.memory_space<vmem>>
        %dma_start3A_644 = arith.constant 0 : i32
        %dma_start3A_645 = tpu.memref_slice %arg5[%add3A_607, %dma_start3A_644] : memref<200x128xi32, #tpu.memory_space<vmem>> -> memref<1x128xi32, #tpu.memory_space<vmem>>
        %dma_start3A_646 = tpu.memref_squeeze %dma_start3A_645 : memref<1x128xi32, #tpu.memory_space<vmem>> -> memref<128xi32, #tpu.memory_space<vmem>>
        %dma_start3A_647 = arith.constant 0 : i32
        %dma_start3A_648 = arith.constant 0 : i32
        %dma_start3A_649 = tpu.memref_slice %arg2[%dma_start3A_647, %dma_start3A_648] : memref<1000000x64xf32, #tpu.memory_space<hbm>> -> memref<1000000x64xf32, #tpu.memory_space<hbm>>
        %dma_start3A_650 = tpu.memref_slice %arg7[%dma_start3A_639] : memref<8x!tpu.dma_semaphore, #tpu.memory_space<semaphore_mem>> -> memref<1x!tpu.dma_semaphore, #tpu.memory_space<semaphore_mem>>
        %dma_start3A_651 = tpu.memref_squeeze %dma_start3A_650 : memref<1x!tpu.dma_semaphore, #tpu.memory_space<semaphore_mem>> -> memref<!tpu.dma_semaphore, #tpu.memory_space<semaphore_mem>>
        tpu.enqueue_indirect_dma source(%dma_start3A_649 : memref<1000000x64xf32, #tpu.memory_space<hbm>>) target(%dma_start3A_643 : memref<128x64xf32, #tpu.memory_space<vmem>>) offsets(%dma_start3A_646 : memref<128xi32, #tpu.memory_space<vmem>>) semaphore(%dma_start3A_651 : memref<!tpu.dma_semaphore, #tpu.memory_space<semaphore_mem>>)
      } else {
      }
      %dma_wait3A_613 = arith.constant 7 : i32
      %dma_wait3A_614 = arith.constant 7 : i32
      %dma_wait3A_615 = arith.constant 0 : i32
      %dma_wait3A_616 = arith.constant 0 : i32
      %dma_wait3A_617 = tpu.memref_slice %arg6[%dma_wait3A_613, %dma_wait3A_615, %dma_wait3A_616] : memref<8x128x64xf32, #tpu.memory_space<vmem>> -> memref<1x128x64xf32, #tpu.memory_space<vmem>>
      %dma_wait3A_618 = tpu.memref_squeeze %dma_wait3A_617 : memref<1x128x64xf32, #tpu.memory_space<vmem>> -> memref<128x64xf32, #tpu.memory_space<vmem>>
      %dma_wait3A_619 = arith.constant 0 : i32
      %dma_wait3A_620 = tpu.memref_slice %arg4[%add3A_424, %dma_wait3A_619] : memref<819200x64xf32, #tpu.memory_space<hbm>> -> memref<128x64xf32, #tpu.memory_space<hbm>>
      %dma_wait3A_621 = tpu.memref_slice %arg8[%dma_wait3A_614] : memref<8x!tpu.dma_semaphore, #tpu.memory_space<semaphore_mem>> -> memref<1x!tpu.dma_semaphore, #tpu.memory_space<semaphore_mem>>
      %dma_wait3A_622 = tpu.memref_squeeze %dma_wait3A_621 : memref<1x!tpu.dma_semaphore, #tpu.memory_space<semaphore_mem>> -> memref<!tpu.dma_semaphore, #tpu.memory_space<semaphore_mem>>
      %dma_wait3A_623 = arith.constant 0 : i32
      %dma_wait3A_624 = tpu.memref_slice %arg4[%add3A_424, %dma_wait3A_623] : memref<819200x64xf32, #tpu.memory_space<hbm>> -> memref<128x64xf32, #tpu.memory_space<hbm>>
      %dma_wait3A_625 = arith.constant 0 : i32
      %dma_wait3A_626 = arith.constant 0 : i32
      %dma_wait3A_627 = tpu.memref_slice %arg6[%dma_wait3A_613, %dma_wait3A_625, %dma_wait3A_626] : memref<8x128x64xf32, #tpu.memory_space<vmem>> -> memref<1x128x64xf32, #tpu.memory_space<vmem>>
      %dma_wait3A_628 = tpu.memref_squeeze %dma_wait3A_627 : memref<1x128x64xf32, #tpu.memory_space<vmem>> -> memref<128x64xf32, #tpu.memory_space<vmem>>
      tpu.wait_dma2 semaphore(%dma_wait3A_622 : memref<!tpu.dma_semaphore, #tpu.memory_space<semaphore_mem>>) src(%dma_wait3A_628 : memref<128x64xf32, #tpu.memory_space<vmem>>) dst(%dma_wait3A_624 : memref<128x64xf32, #tpu.memory_space<hbm>>)
      %add3A_629 = arith.constant 7 : i32
      %add3A_630 = arith.addi %mul3A_129, %add3A_629 : i32
      %add3A_631 = arith.constant 8 : i32
      %add3A_632 = arith.addi %add3A_630, %add3A_631 : i32
      %lt3A_633 = arith.constant 200 : i32
      %lt3A_634 = arith.cmpi slt, %add3A_632, %lt3A_633 : i32
      %convert_element_type3A_635 = arith.extui %lt3A_634 : i1 to i32
      %cond3A_636 = arith.constant 0 : i32
      %cond3A_637 = arith.cmpi ne, %convert_element_type3A_635, %cond3A_636 : i32
      scf.if %cond3A_637 {
        %dma_start3A_638 = arith.constant 7 : i32
        %dma_start3A_639 = arith.constant 7 : i32
        %dma_start3A_640 = arith.constant 0 : i32
        %dma_start3A_641 = arith.constant 0 : i32
        %dma_start3A_642 = tpu.memref_slice %arg6[%dma_start3A_638, %dma_start3A_640, %dma_start3A_641] : memref<8x128x64xf32, #tpu.memory_space<vmem>> -> memref<1x128x64xf32, #tpu.memory_space<vmem>>
        %dma_start3A_643 = tpu.memref_squeeze %dma_start3A_642 : memref<1x128x64xf32, #tpu.memory_space<vmem>> -> memref<128x64xf32, #tpu.memory_space<vmem>>
        %dma_start3A_644 = arith.constant 0 : i32
        %dma_start3A_645 = tpu.memref_slice %arg5[%add3A_632, %dma_start3A_644] : memref<200x128xi32, #tpu.memory_space<vmem>> -> memref<1x128xi32, #tpu.memory_space<vmem>>
        %dma_start3A_646 = tpu.memref_squeeze %dma_start3A_645 : memref<1x128xi32, #tpu.memory_space<vmem>> -> memref<128xi32, #tpu.memory_space<vmem>>
        %dma_start3A_647 = arith.constant 0 : i32
        %dma_start3A_648 = arith.constant 0 : i32
        %dma_start3A_649 = tpu.memref_slice %arg2[%dma_start3A_647, %dma_start3A_648] : memref<1000000x64xf32, #tpu.memory_space<hbm>> -> memref<1000000x64xf32, #tpu.memory_space<hbm>>
        %dma_start3A_650 = tpu.memref_slice %arg7[%dma_start3A_639] : memref<8x!tpu.dma_semaphore, #tpu.memory_space<semaphore_mem>> -> memref<1x!tpu.dma_semaphore, #tpu.memory_space<semaphore_mem>>
        %dma_start3A_651 = tpu.memref_squeeze %dma_start3A_650 : memref<1x!tpu.dma_semaphore, #tpu.memory_space<semaphore_mem>> -> memref<!tpu.dma_semaphore, #tpu.memory_space<semaphore_mem>>
        tpu.enqueue_indirect_dma source(%dma_start3A_649 : memref<1000000x64xf32, #tpu.memory_space<hbm>>) target(%dma_start3A_643 : memref<128x64xf32, #tpu.memory_space<vmem>>) offsets(%dma_start3A_646 : memref<128xi32, #tpu.memory_space<vmem>>) semaphore(%dma_start3A_651 : memref<!tpu.dma_semaphore, #tpu.memory_space<semaphore_mem>>)
      } else {
      }
    }
    %scan3A_126 = arith.constant 25 : i32
    return
  }
}

</mosaic_0001>

<sc_bundles>
// kernel: kernel.3.cloned.1.call-start
scs
__scs_entry_jumppad:
0x0: {  	(pc) =	sbr.rel $0x88, $3  }
0x1: {  	(tag) =	ssettag $0x0;
	lr =	simm.s32 $0x1  }
0x2: {  	[smem:$0x3F9F] =	sst lr;
	_ =	strace $0xD0000000  }
0x3: {  	_ = 	snop  }
0x4: {  	_ = 	snop  }
0x5: {  	_ = 	snop  }
0x6: {  	_ = 	snop  }
0x7: {  	_ = 	snop  }
__scs_overlays_trampoline_lowered:
0x8: {  	[smem:$0x3FAE] =	sst s0  }
0x9: {  	[smem:$0x3FAF] =	sst s1  }
0xa: {  	[smem:$0x3FB0] =	sst s2  }
0xb: {  	[smem:$0x3FB1] =	sst s3  }
0xc: {  	[smem:$0x3FB2] =	sst s4  }
0xd: {  	[smem:$0x3FB3] =	sst s5  }
0xe: {  	[smem:$0x3FB4] =	sst s6  }
0xf: {  	[smem:$0x3FB5] =	sst s7  }
0x10: {  	[smem:$0x3FB6] =	sst s8  }
0x11: {  	[smem:$0x3FB7] =	sst s9;
	s0 =	simm.s32 @!p0 $0x0  }
0x12: {  	s1 =	sld [smem:$0x3F9D];
	s0 =	simm.s32 @p0 $0x1  }
0x13: {  	[smem:$0x3FB8] =	sst s0;
	s0 =	simm.s32 @!p1 $0x0  }
0x14: {  	s2 =	sld [smem:$0x3F9C];
	s0 =	simm.s32 @p1 $0x1  }
0x15: {  	[smem:$0x3FB9] =	sst s0;
	s0 =	simm.s32 @!p2 $0x0  }
0x16: {  	s3 =	sld [smem:$0x3FDB];
	s0 =	simm.s32 @p2 $0x1  }
0x17: {  	s4 =	simm.s32 $0x1BF5;
	[smem:$0x3FBB] =	sst s0  }
0x18: {  	s0 =	sld [smem:$0x3F9E];
	_ =	swait.ge [sflag:s4], $0x0  }
0x19: {  	s7 =	sld [smem:$0x3F9F]  }
0x1a: {  	s8 =	sadd.s32 $0xFFFFE003, lr  }
0x1b: {  	s9 =	sadd.s32 $0xFFFFFEF7, lr;
	s5 =	simm.s32 $0xFFFFFFFF;
	p2 =	slt.u32 s8, $0xFFFFF086  }
0x1c: {  	p1 =	slt.u32 s9, $0xF7A;
	s5 =	simm.s32 @!p2 $0x0  }
0x1d: {  	s5 =	simm.s32 @p1 $0x1;
	p0 =	seq.s32 s7, s2  }
0x1e: {  	s7 =	smul.u32 @!p0 $0xF7A, s2;
	p2 =	seq.s32 @!p0 s5, $0x0  }
0x1f: {  	s9 =	smul.u32 $0xF7A, s1;
	s8 =	simm.s32 @!p0 $0x1BF5;
	p2 =	por !p2, p0  }
0x20: {  	[sflag:s8] =	ssyncset.s32 @!p0 $0xFFFFF086;
	s6 =	sadd.s32 @!p0 s3, s7;
	s7 =	simm.s32 @!p0 $0x108  }
0x21: {  	s3 =	sadd.s32 s3, s9;
	s6 =	sadd.s32 @!p0 $0x88, s6;
	s7 =	simm.s32 @p2 $0x1082  }
0x22: {  	[simem:s7], [sflag:s8] =	dma.local @!p0 [hbm:s6], $0xF7A  }
0x23: {  	s9 =	sor.u32 $0xD0000000, s2;
	s6 =	simm.s32 $0x108;
	_ =	swait.ge @!p0 [sflag:s8], $0x0  }
0x24: {  	s3 =	sadd.s32 $0x88, s3;
	s6 =	simm.s32 @!p1 $0x1082;
	[sflag:s4] =	ssyncset.s32 $0xFFFFF086  }
0x25: {  	[simem:s6], [sflag:s4] =	dma.local [hbm:s3], $0xF7A  }
0x26: {  	[smem:$0x3F9F] =	sst s1;
	(tag) =	ssettag s2;
	_ =	strace s9  }
0x27: {  	s1 =	sld [smem:$0x3FAF]  }
0x28: {  	s2 =	sld [smem:$0x3FB0]  }
0x29: {  	s4 =	sld [smem:$0x3FB2]  }
0x2a: {  	p0 =	seq.s32 s5, $0x0;
	s5 =	sld [smem:$0x3FB3]  }
0x2b: {  	s6 =	sld [smem:$0x3FB4]  }
0x2c: {  	s7 =	sld [smem:$0x3FB5]  }
0x2d: {  	s3 =	simm.s32 $0x108;
	s8 =	sld [smem:$0x3FB6]  }
0x2e: {  	s3 =	simm.s32 @!p0 $0x1082;
	s9 =	sld [smem:$0x3FB7]  }
0x2f: {  	lr =	sadd.s32 s0, s3;
	s0 =	sld [smem:$0x3FAE]  }
0x30: {  	s3 =	sld [smem:$0x3FB1]  }
0x31: {  	[smem:$0x3FBA] =	sst s10  }
0x32: {  	s10 =	sld [smem:$0x3FB8];
	_ =	sdelay $0x3  }
0x33: {  	p0 =	seq.s32 s10, $0x1;
	s10 =	sld [smem:$0x3FBA];
	_ =	sdelay $0x3  }
0x34: {  	[smem:$0x3FBA] =	sst s10  }
0x35: {  	s10 =	sld [smem:$0x3FB9];
	_ =	sdelay $0x3  }
0x36: {  	p1 =	seq.s32 s10, $0x1;
	s10 =	sld [smem:$0x3FBA];
	_ =	sdelay $0x3  }
0x37: {  	[smem:$0x3FBA] =	sst s10  }
0x38: {  	s10 =	sld [smem:$0x3FBB]  }
0x39: {  	_ = 	snop;
	(pc) =	sbr.ind lr, $3  }
0x3a: {  	_ = 	snop  }
0x3b: {  	_ = 	snop  }
0x3c: {  	p2 =	seq.s32 s10, $0x1;
	s10 =	sld [smem:$0x3FBA]  }
0x3d: {  	_ =	shalt  }
0x3e: {  	_ =	shalt  }
0x3f: {  	_ =	shalt  }
0x40: {  	_ =	shalt  }
0x41: {  	_ =	shalt  }
0x42: {  	_ =	shalt  }
0x43: {  	_ =	shalt  }
0x44: {  	_ =	shalt  }
0x45: {  	_ =	shalt  }
0x46: {  	_ =	shalt  }
0x47: {  	_ =	shalt  }
0x48: {  	_ =	shalt  }
0x49: {  	_ =	shalt  }
0x4a: {  	_ =	shalt  }
0x4b: {  	_ =	shalt  }
0x4c: {  	_ =	shalt  }
0x4d: {  	_ =	shalt  }
0x4e: {  	_ =	shalt  }
0x4f: {  	_ =	shalt  }
0x50: {  	_ =	shalt  }
0x51: {  	_ =	shalt  }
0x52: {  	_ =	shalt  }
0x53: {  	_ =	shalt  }
0x54: {  	_ =	shalt  }
0x55: {  	_ =	shalt  }
0x56: {  	_ =	shalt  }
0x57: {  	_ =	shalt  }
0x58: {  	_ =	shalt  }
0x59: {  	_ =	shalt  }
0x5a: {  	_ =	shalt  }
0x5b: {  	_ =	shalt  }
0x5c: {  	_ =	shalt  }
0x5d: {  	_ =	shalt  }
0x5e: {  	_ =	shalt  }
0x5f: {  	_ =	shalt  }
0x60: {  	_ =	shalt  }
0x61: {  	_ =	shalt  }
0x62: {  	_ =	shalt  }
0x63: {  	_ =	shalt  }
0x64: {  	_ =	shalt  }
0x65: {  	_ =	shalt  }
0x66: {  	_ =	shalt  }
0x67: {  	_ =	shalt  }
0x68: {  	_ =	shalt  }
0x69: {  	_ =	shalt  }
0x6a: {  	_ =	shalt  }
0x6b: {  	_ =	shalt  }
0x6c: {  	_ =	shalt  }
0x6d: {  	_ =	shalt  }
0x6e: {  	_ =	shalt  }
0x6f: {  	_ =	shalt  }
0x70: {  	_ =	shalt  }
0x71: {  	_ =	shalt  }
0x72: {  	_ =	shalt  }
0x73: {  	_ =	shalt  }
0x74: {  	_ =	shalt  }
0x75: {  	_ =	shalt  }
0x76: {  	_ =	shalt  }
0x77: {  	_ =	shalt  }
0x78: {  	_ =	shalt  }
0x79: {  	_ =	shalt  }
0x7a: {  	_ =	shalt  }
0x7b: {  	_ =	shalt  }
0x7c: {  	_ =	shalt  }
0x7d: {  	_ =	shalt  }
0x7e: {  	_ =	shalt  }
0x7f: {  	_ =	shalt  }
0x80: {  	_ =	shalt  }
0x81: {  	_ =	shalt  }
0x82: {  	_ =	shalt  }
0x83: {  	_ =	shalt  }
0x84: {  	_ =	shalt  }
0x85: {  	_ =	shalt  }
0x86: {  	_ =	shalt  }
0x87: {  	_ =	shalt  }
.Lfunc_end0:
.L_simem_size_0:
called_computation.1_lowered:
.L_overlay_start_0:
0x88: {  	s2 =	sld [smem:$0x3FD9]  }
0x89: {  	s3 =	sld [smem:$0x3FFE];
	_ =	sdelay $0x1  }
0x8a: {  	s1 =	srdreg.scid  }
0x8b: {  	s0 =	sand.u32 $0x1, s1  }
0x8c: {  	s17 =	sshll.u32 s0, $0xA;
	s2 =	sadd.s32 s3, s2  }
0x8d: {  	s2 =	sadd.s32 s2, s17  }
0x8e: {  	[smem:$0x3FC6] =	sst s2  }
0x8f: {  	_ = 	snop  }
0x90: {  	s2 =	sld [smem:$0x3FD0];
	(tm) =	ssettm $0x1  }
0x91: {  	s18 =	sld [smem:$0x3FFB];
	_ =	sdelay $0x3  }
0x92: {  	_ =	strace s18  }
0x93: {  	s3 =	sld [smem:$0x3FFC];
	_ =	sdelay $0x3  }
0x94: {  	_ =	strace s3  }
0x95: {  	s3 =	sld [smem:$0x3FFD];
	_ =	sdelay $0x3  }
0x96: {  	_ =	strace s3  }
0x97: {  	_ =	strace $0x8FFFFFFF  }
0x98: {  	s19 =	sld [smem:$0x3FDB];
	_ =	sdelay $0x1  }
0x99: {  	s4 =	simm.s32 $_scs_section_size  }
0x9a: {  	s5 =	simm.s32 $_size__tile_overlayer_lowered;
	s6 =	simm.s32 $_tile_overlayer_lowered  }
0x9b: {  	s22 =	simm.s32 $0x1BFF;
	s21 =	sshll.u32 s6, $0x1;
	s3 =	sadd.s32 s4, s19  }
0x9c: {  	s7 =	simm.s32 $0x0;
	s20 =	sshll.u32 s5, $0x1;
	s5 =	sadd.s32 s21, s3  }
0x9d: {  	[timem:s7], [sflag:s22] =	dma.local [hbm:s5], s20  }
0x9e: {  	_ =	swait.ge [sflag:s22], s20  }
0x9f: {  	s4 =	ssub.s32 $0x0, s20;
	[sflag:s22] =	ssyncset.done $0x0  }
0xa0: {  	[sflag:s22] =	ssyncadd.s32 s4;
	_ =	sdelay $0x1  }
0xa1: {  	s23 =	simm.s32 $0x1B8B  }
0xa2: {  	_ =	swait.ge [sflag:s23], $0x1  }
0xa3: {  	[sflag:s23] =	ssyncset.done $0x0  }
0xa4: {  	s25 =	simm.s32 $0x1B8E;
	s24 =	sld [smem:$0x3FFE];
	[sflag:s23] =	ssyncadd.s32 $0xFFFFFFFF  }
0xa5: {  	s26 =	simm.s32 $execute0_lowered;
	[smem:$0x3FD2] =	sst s25  }
0xa6: {  	s5 =	sshll.u32 s26, $0x1;
	_ =	strace $0x80000046;
	[dreg:$0x1] =	wrdreg $0xFFFFFFFF  }
0xa7: {  	s28 =	simm.s32 $_size_execute0_lowered;
	s3 =	sadd.s32 s3, s5;
	[dreg:$0x0] =	wrdreg $0x0  }
0xa8: {  	s5 =	sshll.u32 s28, $0x1;
	[dreg:$0x2] =	wrdreg s3  }
0xa9: {  	[dreg:$0x3] =	wrdreg s5  }
0xaa: {  	[dreg:$0x4] =	wrdreg $0xC0  }
0xab: {  	_ =	task [dreg:s7], $0x5FFFF  }
0xac: {  	[dreg:$0x1] =	wrdreg $0xFFFFFFFF  }
0xad: {  	[dreg:$0x0] =	wrdreg $0x60  }
0xae: {  	[dreg:$0x2] =	wrdreg s24  }
0xaf: {  	[dreg:$0x3] =	wrdreg s2  }
0xb0: {  	[dreg:$0x4] =	wrdreg $0x9  }
0xb1: {  	_ =	task.clear_ibuf [dreg:s7], $0x5FFFF;
	_ =	strace $0x90000046  }
0xb2: {  	s29 =	simm.s32 $0x9;
	_ =	strace $0x80000048  }
0xb3: {  	_ =	swait.ge [sflag:s29], $0x1  }
0xb4: {  	[sflag:s29] =	ssyncadd.s32 $0xFFFFFFFF  }
0xb5: {  	_ =	strace $0x90000048  }
0xb6: {  	_ =	sfence  }
0xb7: {  	s30 =	sld [smem:$0x0];
	_ =	sdelay $0x2  }
0xb8: {  	s31 =	sshll.u32 s1, $0xD;
	s1 =	sshrl.u32 s1, $0x2  }
0xb9: {  	s3 =	sand.u32 $0x4000, s31;
	s1 =	sadd.s32 s1, s30  }
0xba: {  	s0 =	sor.u32 s3, s0;
	s1 =	sshll.u32 s1, $0x11  }
0xbb: {  	s0 =	sor.u32 s1, s0  }
0xbc: {  	s0 =	sadd.s32 $0x8F2B, s0  }
0xbd: {  	[sflag:s0] =	ssyncadd.remote.s32 $0x1  }
0xbe: {  	_ =	sfence.sel $0xFFFF  }
0xbf: {  	[dreg:$0x0] =	wrdreg $0xFFFFFFFF;
	(pc) =	sbr.abs _section_cstart, $3  }
0xc0: {  	[dreg:$0x1] =	wrdreg $0xFFFFFFFF  }
0xc1: {  	_ =	task.clear_ibuf [dreg:s7], $0x2FFFF;
	_ =	strace $0x9FFFFFFF  }
0xc2: {  	(tm) =	ssettm $0x7FFFFFFF  }
0xc3: {  	_ =	shalt  }
tec
execute0_lowered:
.L_overlay_start_1:
0x0: {  	(tag) =	ssettag $0x1  }
0x1: {  	s0 =	srdreg.scid  }
0x2: {  	s4 =	stileid.u32;
	s1 =	rddreg [dreg:$0x0];
	s3 =	simm.s32 $0x0  }
0x3: {  	s16 =	simm.s32 $0x80;
	s17 =	simm.s32 $0x6400;
	s29 =	simm.s32 $0x12400  }
0x4: {  	s31 =	simm.s32 $0x14400;
	s28 =	simm.s32 $0x8;
	s30 =	simm.s32 $0x9  }
0x5: {  	s15 =	simm.s32 $0xC;
	s10 =	simm.s32 $0x10;
	s12 =	simm.s32 $0x0  }
0x6: {  	s0 =	sand.u32 $0x1, s0;
	s2 =	sshll.u32 s4, $0x1;
	s5 =	smul.u32 $0x320000, s4  }
0x7: {  	[smem:$0x7FF] =	sst s3;
	s6 =	smul.u32 $0xC800, s4;
	s4 =	sadd.s32 $0xF42E00, s1  }
0x8: {  	s2 =	sor.u32 s0, s2;
	s7 =	ssub.s32 $0x2, s0;
	s8 =	smul.u32 $0x6400, s0  }
0x9: {  	_ =	strace $0x80000047;
	s0 =	smul.u32 $0x190000, s0;
	s9 =	sshrl.u32 s7, $0x1  }
0xa: {  	s2 =	smul.u32 $0x6400, s2;
	s18 =	ssub.s32 s7, s9;
	s6 =	sadd.s32 s8, s6  }
0xb: {  	s0 =	sadd.s32 s0, s5;
	s5 =	simm.s32 $0xA;
	s7 =	simm.s32 $0xD  }
0xc: {  	s2 =	sshrl.u32 s2, $0x3;
	s19 =	sshll.u32 s6, $0x3;
	s0 =	sshrl.u32 s0, $0x3  }
0xd: {  	s1 =	sadd.s32 s2, s1;
	s2 =	smax.u32 s18, $0x1;
	[dreg:$0x5] =	wrdreg s0  }
0xe: {  	s8 =	simm.s32 $0xE;
	s20 =	sor.u32 $0x1C00, s19;
	[dreg:$0x4] =	wrdreg s2  }
0xf: {  	s9 =	simm.s32 $0xF;
	s21 =	sor.u32 $0x1800, s19;
	[dreg:$0x6] =	wrdreg s20  }
0x10: {  	s6 =	simm.s32 $0xB;
	s22 =	sor.u32 $0x1400, s19;
	[dreg:$0x7] =	wrdreg s21  }
0x11: {  	s23 =	sor.u32 $0x1000, s19;
	s24 =	sor.u32 $0xC00, s19;
	[dreg:$0x8] =	wrdreg s22  }
0x12: {  	s25 =	sor.u32 $0x800, s19;
	s26 =	sor.u32 $0x400, s19;
	[dreg:$0x9] =	wrdreg s23  }
0x13: {  	s18 =	simm.s32 $0x8400;
	s0 =	simm.s32 $0x2;
	[dreg:$0xa] =	wrdreg s24  }
.Ltmp0:
0x14: {  	s19 =	simm.s32 $0x4;
	[dreg:$0xb] =	wrdreg s25;
	(pc) =	sbr.rel .LBB2_1-.Ltmp0, $4  }
0x15: {  	s1 =	sadd.s32 $0xA00, s1;
	[dreg:$0xc] =	wrdreg s26;
	s20 =	simm.s32 $0xA400  }
0x16: {  	s22 =	simm.s32 $0xC400;
	s24 =	simm.s32 $0xE400;
	s26 =	simm.s32 $0x10400  }
0x17: {  	s2 =	simm.s32 $0x3;
	s21 =	simm.s32 $0x5;
	s23 =	simm.s32 $0x6  }
0x18: {  	s25 =	simm.s32 $0x7;
	[dreg:$0x3] =	wrdreg s1;
	s1 =	simm.s32 $0x1  }
.LBB2_4:
0x19: {  	_ =	swait.ge [sflag:s5], $0x2000  }
0x1a: {  	[sflag:s5] =	ssyncset.done $0x0  }
0x1b: {  	[sflag:s5] =	ssyncadd.s32 $0xFFFFE000  }
0x1c: {  	_ =	swait.ge [sflag:s6], $0x2000  }
0x1d: {  	[sflag:s6] =	ssyncset.done $0x0  }
0x1e: {  	[sflag:s6] =	ssyncadd.s32 $0xFFFFE000  }
0x1f: {  	_ =	swait.ge [sflag:s15], $0x2000  }
0x20: {  	[sflag:s15] =	ssyncset.done $0x0  }
0x21: {  	[sflag:s15] =	ssyncadd.s32 $0xFFFFE000  }
0x22: {  	_ =	swait.ge [sflag:s7], $0x2000  }
0x23: {  	[sflag:s7] =	ssyncset.done $0x0  }
0x24: {  	[sflag:s7] =	ssyncadd.s32 $0xFFFFE000  }
0x25: {  	_ =	swait.ge [sflag:s8], $0x2000  }
0x26: {  	[sflag:s8] =	ssyncset.done $0x0  }
0x27: {  	[sflag:s8] =	ssyncadd.s32 $0xFFFFE000  }
0x28: {  	_ =	swait.ge [sflag:s9], $0x2000  }
0x29: {  	[sflag:s9] =	ssyncset.done $0x0  }
0x2a: {  	[sflag:s9] =	ssyncadd.s32 $0xFFFFE000  }
0x2b: {  	_ =	swait.ge [sflag:s10], $0x2000  }
0x2c: {  	s12 =	rddreg [dreg:$0xd]  }
0x2d: {  	s11 =	rddreg [dreg:$0x4];
	s12 =	sadd.s32 $0x1, s12  }
0x2e: {  	p0 =	sne.s32 s12, s11  }
.Ltmp1:
0x2f: {  	_ = 	snop;
	(pc) =	sbr.rel @!p0 .LBB2_5-.Ltmp1, $3  }
0x30: {  	_ =	sdelay $0x1  }
0x31: {  	[sflag:s10] =	ssyncset.done $0x0  }
0x32: {  	[sflag:s10] =	ssyncadd.s32 $0xFFFFE000  }
.LBB2_1:
0x33: {  	[dreg:$0xd] =	wrdreg s12  }
0x34: {  	s11 =	rddreg [dreg:$0x3];
	s14 =	simm.s32 $0x11  }
0x35: {  	[tilespmem:s3], [sflag:$0x11] =	stream.linear.gather [hbm4b:s11+s3], $0x6400, $0x38;
	[tilespmem:$0x16400] =	vst v63  }
0x36: {  	_ =	swait.ge [sflag:s14], $0x6400  }
0x37: {  	[sflag:s14] =	ssyncset.done $0x0  }
0x38: {  	[sflag:s14] =	ssyncadd.s32 $0xFFFF9C00  }
0x39: {  	[tilespmem:s17], [sflag:$0x1] =	stream.indirect.gather [hbm4b:s4+s16], $0x40, s3, s16, $0xb8;
	[tilespmem:$0x16400] =	vst v63  }
0x3a: {  	_ = 	snop  }
0x3b: {  	[tilespmem:s18], [sflag:$0x2] =	stream.indirect.gather [hbm4b:s4+s16], $0x40, s16, s16, $0xb8;
	[tilespmem:$0x16400] =	vst v63  }
0x3c: {  	s12 =	simm.s32 $0x100  }
0x3d: {  	[tilespmem:s20], [sflag:$0x3] =	stream.indirect.gather [hbm4b:s4+s16], $0x40, s12, s16, $0xb8;
	[tilespmem:$0x16400] =	vst v63  }
0x3e: {  	s13 =	simm.s32 $0x180  }
0x3f: {  	[tilespmem:s22], [sflag:$0x4] =	stream.indirect.gather [hbm4b:s4+s16], $0x40, s13, s16, $0xb8;
	[tilespmem:$0x16400] =	vst v63  }
0x40: {  	s14 =	simm.s32 $0x200  }
0x41: {  	[tilespmem:s24], [sflag:$0x5] =	stream.indirect.gather [hbm4b:s4+s16], $0x40, s14, s16, $0xb8;
	[tilespmem:$0x16400] =	vst v63  }
0x42: {  	s12 =	simm.s32 $0x280  }
0x43: {  	[tilespmem:s26], [sflag:$0x6] =	stream.indirect.gather [hbm4b:s4+s16], $0x40, s12, s16, $0xb8;
	[tilespmem:$0x16400] =	vst v63  }
0x44: {  	s13 =	simm.s32 $0x300  }
0x45: {  	[tilespmem:s29], [sflag:$0x7] =	stream.indirect.gather [hbm4b:s4+s16], $0x40, s13, s16, $0xb8;
	[tilespmem:$0x16400] =	vst v63  }
0x46: {  	s11 =	rddreg [dreg:$0x1];
	s14 =	simm.s32 $0x380;
	s12 =	simm.s32 $0x0  }
0x47: {  	[tilespmem:s31], [sflag:$0x8] =	stream.indirect.gather [hbm4b:s4+s16], $0x40, s14, s16, $0xb8;
	[tilespmem:$0x16400] =	vst v63  }
.LBB2_2:
0x48: {  	_ =	swait.ge [sflag:s1], $0x2000  }
0x49: {  	[sflag:s1] =	ssyncset.done $0x0;
	s13 =	rddreg [dreg:$0x5]  }
0x4a: {  	[sflag:s1] =	ssyncadd.s32 $0xFFFFE000;
	s13 =	sadd.s32 s11, s13  }
0x4b: {  	[hbm4b:s13+s3] =	stream.linear.scatter [tilespmem:s17], [sflag:$0x9], $0x2000, $0x38;
	[tilespmem:$0x16400] =	vst v63  }
0x4c: {  	_ =	swait.ge [sflag:s0], $0x2000  }
0x4d: {  	[sflag:s0] =	ssyncset.done $0x0;
	s14 =	rddreg [dreg:$0xc]  }
0x4e: {  	[sflag:s0] =	ssyncadd.s32 $0xFFFFE000;
	s13 =	sadd.s32 s11, s14  }
0x4f: {  	[hbm4b:s13+s3] =	stream.linear.scatter [tilespmem:s18], [sflag:$0xA], $0x2000, $0x38;
	[tilespmem:$0x16400] =	vst v63  }
0x50: {  	_ =	swait.ge [sflag:s2], $0x2000  }
0x51: {  	[sflag:s2] =	ssyncset.done $0x0;
	s14 =	rddreg [dreg:$0xb]  }
0x52: {  	[sflag:s2] =	ssyncadd.s32 $0xFFFFE000;
	s13 =	sadd.s32 s11, s14  }
0x53: {  	[hbm4b:s13+s3] =	stream.linear.scatter [tilespmem:s20], [sflag:$0xB], $0x2000, $0x38;
	[tilespmem:$0x16400] =	vst v63  }
0x54: {  	_ =	swait.ge [sflag:s19], $0x2000  }
0x55: {  	[sflag:s19] =	ssyncset.done $0x0;
	s14 =	rddreg [dreg:$0xa]  }
0x56: {  	[sflag:s19] =	ssyncadd.s32 $0xFFFFE000;
	s13 =	sadd.s32 s11, s14  }
0x57: {  	[hbm4b:s13+s3] =	stream.linear.scatter [tilespmem:s22], [sflag:$0xC], $0x2000, $0x38;
	[tilespmem:$0x16400] =	vst v63  }
0x58: {  	_ =	swait.ge [sflag:s21], $0x2000  }
0x59: {  	[sflag:s21] =	ssyncset.done $0x0;
	s14 =	rddreg [dreg:$0x9]  }
0x5a: {  	[sflag:s21] =	ssyncadd.s32 $0xFFFFE000;
	s13 =	sadd.s32 s11, s14  }
0x5b: {  	[hbm4b:s13+s3] =	stream.linear.scatter [tilespmem:s24], [sflag:$0xD], $0x2000, $0x38;
	[tilespmem:$0x16400] =	vst v63  }
0x5c: {  	_ =	swait.ge [sflag:s23], $0x2000  }
0x5d: {  	[sflag:s23] =	ssyncset.done $0x0;
	s14 =	rddreg [dreg:$0x8]  }
0x5e: {  	[sflag:s23] =	ssyncadd.s32 $0xFFFFE000;
	s13 =	sadd.s32 s11, s14  }
0x5f: {  	[hbm4b:s13+s3] =	stream.linear.scatter [tilespmem:s26], [sflag:$0xE], $0x2000, $0x38;
	[tilespmem:$0x16400] =	vst v63  }
0x60: {  	_ =	swait.ge [sflag:s25], $0x2000  }
0x61: {  	[sflag:s25] =	ssyncset.done $0x0;
	s14 =	rddreg [dreg:$0x7]  }
0x62: {  	[sflag:s25] =	ssyncadd.s32 $0xFFFFE000;
	s13 =	sadd.s32 s11, s14  }
0x63: {  	[hbm4b:s13+s3] =	stream.linear.scatter [tilespmem:s29], [sflag:$0xF], $0x2000, $0x38;
	[tilespmem:$0x16400] =	vst v63  }
0x64: {  	_ =	swait.ge [sflag:s28], $0x2000  }
0x65: {  	p0 =	seq.s32 s12, $0x18000;
	[sflag:s28] =	ssyncset.done $0x0;
	s14 =	rddreg [dreg:$0x6]  }
.Ltmp2:
0x66: {  	[sflag:s28] =	ssyncadd.s32 $0xFFFFE000;
	s13 =	sadd.s32 s11, s14;
	(pc) =	sbr.rel @p0 .LBB2_4-.Ltmp2, $4  }
0x67: {  	[hbm4b:s13+s3] =	stream.linear.scatter [tilespmem:s31], [sflag:$0x10], $0x2000, $0x38;
	[tilespmem:$0x16400] =	vst v63  }
0x68: {  	_ =	swait.ge [sflag:s30], $0x2000  }
0x69: {  	[sflag:s30] =	ssyncset.done $0x0  }
0x6a: {  	[sflag:s30] =	ssyncadd.s32 $0xFFFFE000  }
0x6b: {  	s13 =	sshra.s32 s12, $0x2  }
0x6c: {  	s14 =	sadd.s32 $0x400, s13  }
0x6d: {  	[tilespmem:s17], [sflag:$0x1] =	stream.indirect.gather [hbm4b:s4+s16], $0x40, s14, s16, $0xb8;
	[tilespmem:$0x16400] =	vst v63  }
0x6e: {  	_ =	swait.ge [sflag:s5], $0x2000  }
0x6f: {  	[sflag:s5] =	ssyncset.done $0x0  }
0x70: {  	s14 =	sadd.s32 $0x480, s13;
	[sflag:s5] =	ssyncadd.s32 $0xFFFFE000  }
0x71: {  	[tilespmem:s18], [sflag:$0x2] =	stream.indirect.gather [hbm4b:s4+s16], $0x40, s14, s16, $0xb8;
	[tilespmem:$0x16400] =	vst v63  }
0x72: {  	_ =	swait.ge [sflag:s6], $0x2000  }
0x73: {  	[sflag:s6] =	ssyncset.done $0x0  }
0x74: {  	s14 =	sadd.s32 $0x500, s13;
	[sflag:s6] =	ssyncadd.s32 $0xFFFFE000  }
0x75: {  	[tilespmem:s20], [sflag:$0x3] =	stream.indirect.gather [hbm4b:s4+s16], $0x40, s14, s16, $0xb8;
	[tilespmem:$0x16400] =	vst v63  }
0x76: {  	_ =	swait.ge [sflag:s15], $0x2000  }
0x77: {  	[sflag:s15] =	ssyncset.done $0x0  }
0x78: {  	s14 =	sadd.s32 $0x580, s13;
	[sflag:s15] =	ssyncadd.s32 $0xFFFFE000  }
0x79: {  	[tilespmem:s22], [sflag:$0x4] =	stream.indirect.gather [hbm4b:s4+s16], $0x40, s14, s16, $0xb8;
	[tilespmem:$0x16400] =	vst v63  }
0x7a: {  	_ =	swait.ge [sflag:s7], $0x2000  }
0x7b: {  	[sflag:s7] =	ssyncset.done $0x0  }
0x7c: {  	s14 =	sadd.s32 $0x600, s13;
	[sflag:s7] =	ssyncadd.s32 $0xFFFFE000  }
0x7d: {  	[tilespmem:s24], [sflag:$0x5] =	stream.indirect.gather [hbm4b:s4+s16], $0x40, s14, s16, $0xb8;
	[tilespmem:$0x16400] =	vst v63  }
0x7e: {  	_ =	swait.ge [sflag:s8], $0x2000  }
0x7f: {  	[sflag:s8] =	ssyncset.done $0x0  }
0x80: {  	s14 =	sadd.s32 $0x680, s13;
	[sflag:s8] =	ssyncadd.s32 $0xFFFFE000  }
0x81: {  	[tilespmem:s26], [sflag:$0x6] =	stream.indirect.gather [hbm4b:s4+s16], $0x40, s14, s16, $0xb8;
	[tilespmem:$0x16400] =	vst v63  }
0x82: {  	_ =	swait.ge [sflag:s9], $0x2000  }
0x83: {  	[sflag:s9] =	ssyncset.done $0x0  }
0x84: {  	s14 =	sadd.s32 $0x700, s13;
	[sflag:s9] =	ssyncadd.s32 $0xFFFFE000  }
0x85: {  	[tilespmem:s29], [sflag:$0x7] =	stream.indirect.gather [hbm4b:s4+s16], $0x40, s14, s16, $0xb8;
	[tilespmem:$0x16400] =	vst v63  }
.Ltmp3:
0x86: {  	_ = 	snop;
	(pc) =	sbr.rel .LBB2_2-.Ltmp3, $4  }
0x87: {  	_ =	swait.ge [sflag:s10], $0x2000  }
0x88: {  	s12 =	sadd.s32 $0x1000, s12;
	[sflag:s10] =	ssyncset.done $0x0  }
0x89: {  	s11 =	sadd.s32 $0x2000, s11;
	s13 =	sadd.s32 $0x780, s13;
	[sflag:s10] =	ssyncadd.s32 $0xFFFFE000  }
0x8a: {  	[tilespmem:s31], [sflag:$0x8] =	stream.indirect.gather [hbm4b:s4+s16], $0x40, s13, s16, $0xb8;
	[tilespmem:$0x16400] =	vst v63  }
.LBB2_5:
0x8b: {  	_ =	sfence.sel $0x180000  }
0x8c: {  	[bflag:$0x0] =	sbarrier.arrive $0xFFFF  }
0x8d: {  	_ =	strace $0x90000047  }
0x8e: {  	s0 =	stileid.u32;
	[bflag:$0x2] =	sbarrier.arrive $0xFFFF  }
0x8f: {  	p0 =	sne.s32 s0, $0x0;
	s0 =	rddreg [dreg:$0x2]  }
0x90: {  	s0 =	sadd.s32 @!p0 $0x100000, s0  }
0x91: {  	[sflag:s0] =	ssyncadd.tile.s32 @!p0 $0x1;
	_ =	shalt  }
.Lfunc_end2:
_tile_overlayer_lowered:
.L_overlay_start_2:
0x92: {  	(tag) =	ssettag $0x2  }
0x93: {  	s0 =	rddreg [dreg:$0x0];
	s2 =	stileid.u32  }
0x94: {  	s1 =	rddreg [dreg:$0x1];
	p0 =	sne.s32 s2, $0x0  }
0x95: {  	s3 =	rddreg [dreg:$0x2];
	[bflag:$0x3] =	sbarrier.arrive $0xFFFF;
	s2 =	simm.s32 @!p0 $0x1C11  }
0x96: {  	[timem:s3], [sflag:s2] =	dma.local @!p0 [hbm:s0], s1  }
0x97: {  	s0 =	simm.s32 @!p0 $0x11  }
0x98: {  	_ =	swait.ge @!p0 [sflag:s0], s1  }
0x99: {  	s1 =	ssub.s32 @!p0 $0x0, s1;
	[sflag:s0] =	ssyncset.done @!p0 $0x0  }
0x9a: {  	[sflag:s0] =	ssyncadd.s32 @!p0 s1  }
0x9b: {  	[bflag:$0x3] =	sbarrier.arrive $0xFFFF  }
0x9c: {  	_ =	shalt  }

// kernel: sparse-core-data-format-call.cloned.1.call-start
scs
called_computation_lowered:
.L_overlay_start_0:
0x0: {  	s2 =	sld [smem:$0x3FD9]  }
0x1: {  	s3 =	sld [smem:$0x3FFE];
	_ =	sdelay $0x1  }
0x2: {  	s1 =	srdreg.scid  }
0x3: {  	s0 =	sand.u32 $0x1, s1  }
0x4: {  	s18 =	sshll.u32 s0, $0xA;
	s2 =	sadd.s32 s3, s2  }
0x5: {  	s2 =	sadd.s32 s2, s18  }
0x6: {  	[smem:$0x3FC6] =	sst s2  }
0x7: {  	_ = 	snop  }
0x8: {  	s2 =	sld [smem:$0x3FD0];
	(tm) =	ssettm $0x1  }
0x9: {  	s19 =	sld [smem:$0x3FFB];
	_ =	sdelay $0x3  }
0xa: {  	_ =	strace s19  }
0xb: {  	s3 =	sld [smem:$0x3FFC];
	_ =	sdelay $0x3  }
0xc: {  	_ =	strace s3  }
0xd: {  	s3 =	sld [smem:$0x3FFD];
	_ =	sdelay $0x3  }
0xe: {  	_ =	strace s3  }
0xf: {  	_ =	strace $0x8FFFFFFF  }
0x10: {  	s20 =	sld [smem:$0x3FDB];
	_ =	sdelay $0x1  }
0x11: {  	s4 =	simm.s32 $_scs_section_size  }
0x12: {  	s5 =	simm.s32 $_size__tile_overlayer_lowered;
	s6 =	simm.s32 $_tile_overlayer_lowered  }
0x13: {  	s23 =	simm.s32 $0x1BFF;
	s22 =	sshll.u32 s6, $0x1;
	s3 =	sadd.s32 s4, s20  }
0x14: {  	s7 =	simm.s32 $0x0;
	s21 =	sshll.u32 s5, $0x1;
	s5 =	sadd.s32 s22, s3  }
0x15: {  	[timem:s7], [sflag:s23] =	dma.local [hbm:s5], s21  }
0x16: {  	_ =	swait.ge [sflag:s23], s21  }
0x17: {  	s4 =	ssub.s32 $0x0, s21;
	[sflag:s23] =	ssyncset.done $0x0  }
0x18: {  	[sflag:s23] =	ssyncadd.s32 s4;
	_ =	sdelay $0x1  }
0x19: {  	s24 =	simm.s32 $0x1B8B  }
0x1a: {  	_ =	swait.ge [sflag:s24], $0x1  }
0x1b: {  	[sflag:s24] =	ssyncset.done $0x0  }
0x1c: {  	s26 =	simm.s32 $0x1B8E;
	s25 =	sld [smem:$0x3FFE];
	[sflag:s24] =	ssyncadd.s32 $0xFFFFFFFF  }
0x1d: {  	s27 =	simm.s32 $execute0_lowered;
	[smem:$0x3FD2] =	sst s26  }
0x1e: {  	s5 =	sshll.u32 s27, $0x1;
	_ =	strace $0x80000049;
	[dreg:$0x1] =	wrdreg $0xFFFFFFFF  }
0x1f: {  	s28 =	simm.s32 $_size_execute0_lowered;
	s3 =	sadd.s32 s3, s5;
	[dreg:$0x0] =	wrdreg $0x0  }
0x20: {  	s5 =	sshll.u32 s28, $0x1;
	[dreg:$0x2] =	wrdreg s3  }
0x21: {  	[dreg:$0x3] =	wrdreg s5  }
0x22: {  	[dreg:$0x4] =	wrdreg $0xC0  }
0x23: {  	_ =	task [dreg:s7], $0x5FFFF  }
0x24: {  	[dreg:$0x1] =	wrdreg $0xFFFFFFFF  }
0x25: {  	[dreg:$0x0] =	wrdreg $0x60  }
0x26: {  	[dreg:$0x2] =	wrdreg s25  }
0x27: {  	[dreg:$0x3] =	wrdreg s2  }
0x28: {  	[dreg:$0x4] =	wrdreg $0x9  }
0x29: {  	_ =	task.clear_ibuf [dreg:s7], $0x5FFFF;
	_ =	strace $0x90000049  }
0x2a: {  	s29 =	simm.s32 $0x9;
	_ =	strace $0x8000004B  }
0x2b: {  	_ =	swait.ge [sflag:s29], $0x1  }
0x2c: {  	[sflag:s29] =	ssyncadd.s32 $0xFFFFFFFF  }
0x2d: {  	_ =	strace $0x9000004B  }
0x2e: {  	_ =	sfence  }
0x2f: {  	s30 =	sld [smem:$0x0];
	_ =	sdelay $0x2  }
0x30: {  	s31 =	sshll.u32 s1, $0xD;
	s1 =	sshrl.u32 s1, $0x2  }
0x31: {  	s3 =	sand.u32 $0x4000, s31;
	s1 =	sadd.s32 s1, s30  }
0x32: {  	s0 =	sor.u32 s3, s0;
	s1 =	sshll.u32 s1, $0x11  }
0x33: {  	s0 =	sor.u32 s1, s0  }
0x34: {  	s0 =	sadd.s32 $0x8F2B, s0  }
0x35: {  	[sflag:s0] =	ssyncadd.remote.s32 $0x1  }
0x36: {  	_ =	sfence.sel $0xFFFF  }
0x37: {  	[dreg:$0x0] =	wrdreg $0xFFFFFFFF;
	(pc) =	sbr.abs _section_cstart, $3  }
0x38: {  	[dreg:$0x1] =	wrdreg $0xFFFFFFFF  }
0x39: {  	_ =	task.clear_ibuf [dreg:s7], $0x2FFFF;
	_ =	strace $0x9FFFFFFF  }
0x3a: {  	(tm) =	ssettm $0x7FFFFFFF  }
0x3b: {  	_ =	shalt  }
tec
execute0_lowered:
.L_overlay_start_1:
0x0: {  	(tag) =	ssettag $0x1  }
0x1: {  	s0 =	srdreg.scid  }
0x2: {  	s1 =	sshll.u32 s0, $0x4  }
0x3: {  	s0 =	stileid.u32;
	s1 =	sand.u32 $0x10, s1  }
0x4: {  	s1 =	sor.u32 s0, s1  }
0x5: {  	s6 =	rddreg [dreg:$0x0];
	s4 =	simm.s32 $0x1;
	s2 =	sshll.u32 s1, $0x7  }
0x6: {  	s7 =	simm.s32 $0x2;
	s12 =	simm.s32 $0x0;
	s1 =	ssub.s32 $0x4000, s2  }
0x7: {  	s8 =	simm.s32 $0x20000;
	s13 =	simm.s32 $0x0;
	s3 =	sand.u32 $0xF80, s1  }
0x8: {  	s9 =	simm.s32 $0x0;
	s5 =	sshrl.u32 s1, $0xC;
	p0 =	sne.s32 s3, $0x0  }
.Ltmp0:
0x9: {  	s1 =	rddreg [dreg:$0x2];
	s4 =	simm.s32 @!p0 $0x0;
	(pc) =	sbr.rel .LBB1_1-.Ltmp0, $4  }
0xa: {  	s11 =	simm.s32 $0x0;
	s3 =	rddreg [dreg:$0x1];
	s5 =	sadd.s32 s4, s5  }
0xb: {  	_ =	strace $0x8000004A;
	s4 =	simm.s32 $0x1;
	s5 =	smul.u32 $0x32, s5  }
0xc: {  	s6 =	sadd.s32 $0xA00, s6;
	s10 =	smov.u32 s2;
	[sflag:s4] =	ssyncpa.u1 $0x0  }
0xd: {  	p0 =	por $0x0, $0x0;
	[sflag:s7] =	ssyncpa.u1 $0x0;
	s7 =	sor.u32 $0x1, s5  }
.LBB1_4:
0xe: {  	s16 =	sshll.u32 s13, $0x3;
	s17 =	sand.u32 $0x78, s13  }
0xf: {  	s30 =	sand.u32 $0x1F800, s13;
	s12 =	sshll.u32 s12, $0x11;
	s16 =	sand.u32 $0x3C00, s16  }
0x10: {  	[tilespmem:s15+$0x810 ss:$0x81] =	vst.msk $0xffff, v2;
	s31 =	sand.u32 $0x7, s13;
	s16 =	sor.u32 s17, s16;
	s17 =	sadd.s32 s3, s30  }
0x11: {  	[tilespmem:s15+$0x1020 ss:$0x81] =	vst.msk $0xffff, v0;
	s13 =	sshll.u32 s31, $0x12;
	s12 =	sadd.s32 s12, s17;
	s16 =	sshrl.u32 s16, $0x3  }
0x12: {  	[tilespmem:s15+$0x0 ss:$0x81] =	vst.msk $0xffff, v1;
	s13 =	sor.u32 $0x400, s13;
	s12 =	sadd.s32 s16, s12  }
0x13: {  	[hbm4b:s12+s13] =	stream.strided.scatter [tilespmem:s14], [sflag:$0x2], $0x2000, s8, s13, $0x20;
	[tilespmem:$0x8080] =	vst v63  }
.LBB1_5:
0x14: {  	s14 =	sadd.s32 $0x1, s9  }
0x15: {  	s12 =	sadd.s32 $0x1000, s10;
	s16 =	smov.u32 s10;
	p2 =	sgt.s32 s14, $0x31  }
0x16: {  	s16 =	smov.u32 @p2 s12  }
0x17: {  	s14 =	simm.s32 @p2 $0x0;
	p2 =	sgt.s32 s16, $0x3FFF  }
0x18: {  	s16 =	smov.u32 @p2 s2;
	p2 =	sne.s32 s11, s7  }
.Ltmp1:
0x19: {  	p1 =	slt.u32 s11, $0x2;
	(pc) =	sbr.rel @!p2 .LBB1_6-.Ltmp1, $4  }
0x1a: {  	s15 =	simm.s32 @!p1 $0x2  }
0x1b: {  	s13 =	smov.u32 s10;
	p0 =	por !p0, !p0;
	_ =	swait.ge @!p1 [sflag:s15], $0x2000  }
0x1c: {  	s12 =	smov.u32 s9;
	[sflag:s15] =	ssyncset.done @!p1 $0x0;
	s9 =	smov.u32 s14  }
0x1d: {  	s11 =	sadd.s32 $0x1, s11;
	[sflag:s15] =	ssyncadd.s32 @!p1 $0xFFFFE000;
	s10 =	smov.u32 s16  }
.LBB1_1:
0x1e: {  	p1 =	sge.u32 s11, s5  }
0x1f: {  	s14 =	sand.u32 @!p1 $0x1FFFFFF, s9  }
0x20: {  	s15 =	smulhi.u32 @!p1 $0x4924925, s14;
	_ =	sdelay $0x1  }
0x21: {  	s15 =	smul.u32 @!p1 $0x38, s15  }
0x22: {  	s16 =	sxor.u32 @!p1 $0xFFFFFFFF, s11;
	s17 =	smul.u32 @!p1 $0x380, s10  }
0x23: {  	s31 =	sadd.s32 $0xFFFFFFFF, s11;
	s16 =	sshll.u32 @!p1 s16, $0xD;
	s14 =	ssub.s32 @!p1 s14, s15  }
0x24: {  	s15 =	sand.u32 @!p1 $0x2000, s16;
	s16 =	sadd.s32 @!p1 s6, s17;
	s14 =	sshll.u32 @!p1 s14, $0x4  }
0x25: {  	s17 =	simm.s32 @!p1 $0x1C00;
	s14 =	sadd.s32 @!p1 s14, s16;
	s16 =	simm.s32 @!p1 $0x40  }
0x26: {  	[tilespmem:s15], [sflag:$0x1] =	stream.strided.gather @!p1 [hbm4b:s14+s16], $0x2000, s17, s16, $0x38;
	[tilespmem:$0x8080] =	vst v63  }
0x27: {  	p1 =	sge.u32 s31, s5  }
.Ltmp2:
0x28: {  	_ = 	snop;
	(pc) =	sbr.rel @p1 .LBB1_5-.Ltmp2, $1  }
0x29: {  	_ =	sdelay $0x3  }
0x2a: {  	s14 =	simm.s32 $0x1  }
0x2b: {  	_ =	swait.ge [sflag:s4], $0x2000;
	s14 =	simm.s32 @!p0 $0x0  }
0x2c: {  	[sflag:s4] =	ssyncset.done $0x0;
	s15 =	sshll.u32 s14, $0xD  }
0x2d: {  	[sflag:s4] =	ssyncadd.s32 $0xFFFFE000;
	s18 =	sor.u32 $0x20, s15  }
0x2e: {  	s14 =	smul.u32 $0x8100, s14;
	v3 =	vld [tilespmem:s18+$0x10]  }
0x2f: {  	s30 =	sand.u32 $0x1, s11;
	v2 =	vld [tilespmem:s18+$0xFFFFFFF0]  }
0x30: {  	s15 =	smul.u32 $0x8100, s30;
	s14 =	sshrl.u32 s14, $0x2;
	v0 =	vld [tilespmem:s18+$0x0]  }
0x31: {  	v1 =	vld [tilespmem:s18+$0xFFFFFFE0];
	s16 =	sor.u32 $0x4000, s14  }
0x32: {  	s31 =	sshrl.u32 s15, $0x2;
	s15 =	sadd.s32 $0x0, s16  }
0x33: {  	s17 =	simm.s32 $0x4;
	s18 =	sadd.s32 $0x40, s18;
	s14 =	sor.u32 $0x4000, s31;
	[tilespmem:s15+$0x1830 ss:$0x81] =	vst.msk $0xffff, v3  }
.LBB1_3:
0x34: {  	v3 =	vld [tilespmem:s18+$0x10];
	p1 =	sne.s32 s17, $0x1FC;
	[tilespmem:s15+$0x810 ss:$0x81] =	vst.msk $0xffff, v2;
	s19 =	smov.u32 s17;
	s17 =	sadd.s32 $0x4, s17  }
.Ltmp3:
0x35: {  	v2 =	vld [tilespmem:s18+$0xFFFFFFF0];
	[tilespmem:s15+$0x1020 ss:$0x81] =	vst.msk $0xffff, v0;
	(pc) =	sbr.rel @p1 .LBB1_3-.Ltmp3, $4  }
0x36: {  	v0 =	vld [tilespmem:s18+$0x0];
	[tilespmem:s15+$0x0 ss:$0x81] =	vst.msk $0xffff, v1  }
0x37: {  	s15 =	sshra.s32 s19, $0x2;
	v1 =	vld [tilespmem:s18+$0xFFFFFFE0]  }
0x38: {  	s15 =	sadd.s32 s15, s16  }
0x39: {  	s18 =	sadd.s32 $0x40, s18;
	[tilespmem:s15+$0x1830 ss:$0x81] =	vst.msk $0xffff, v3  }
.Ltmp4:
0x3a: {  	_ = 	snop;
	(pc) =	sbr.rel .LBB1_4-.Ltmp4, $1  }
0x3b: {  	_ =	sdelay $0x3  }
.LBB1_6:
0x3c: {  	_ =	sfence.sel $0x180000  }
0x3d: {  	s2 =	simm.s32 $0x1;
	[bflag:$0x0] =	sbarrier.arrive $0xFFFF  }
0x3e: {  	s31 =	simm.s32 $0x2;
	[sflag:s2] =	ssyncpa.u1 $0x1  }
0x3f: {  	[sflag:s31] =	ssyncpa.u1 $0x1  }
0x40: {  	p0 =	sne.s32 s0, $0x0;
	_ =	strace $0x9000004A  }
0x41: {  	s0 =	sadd.s32 @!p0 $0x100000, s1;
	[bflag:$0x2] =	sbarrier.arrive $0xFFFF  }
0x42: {  	[sflag:s0] =	ssyncadd.tile.s32 @!p0 $0x1;
	_ =	shalt  }
.Lfunc_end1:
_tile_overlayer_lowered:
.L_overlay_start_2:
0x43: {  	(tag) =	ssettag $0x2  }
0x44: {  	s0 =	rddreg [dreg:$0x0];
	s2 =	stileid.u32  }
0x45: {  	s1 =	rddreg [dreg:$0x1];
	p0 =	sne.s32 s2, $0x0  }
0x46: {  	s3 =	rddreg [dreg:$0x2];
	[bflag:$0x3] =	sbarrier.arrive $0xFFFF;
	s2 =	simm.s32 @!p0 $0x1C01  }
0x47: {  	[timem:s3], [sflag:s2] =	dma.local @!p0 [hbm:s0], s1  }
0x48: {  	s0 =	simm.s32 @!p0 $0x1  }
0x49: {  	_ =	swait.ge @!p0 [sflag:s0], s1  }
0x4a: {  	s1 =	ssub.s32 @!p0 $0x0, s1;
	[sflag:s0] =	ssyncset.done @!p0 $0x0  }
0x4b: {  	[sflag:s0] =	ssyncadd.s32 @!p0 s1  }
0x4c: {  	[bflag:$0x3] =	sbarrier.arrive $0xFFFF  }
0x4d: {  	_ =	shalt  }

</sc_bundles>
